<compile_context>
chip_gen: v7x
topology: tpu7x:2x2x1
jax: 0.10.2.dev20260603
libtpu: 0.0.44.dev20260713+nightly
codegen_flags: <defaults>
</compile_context>

<pallas_src>
import jax
import jax.numpy as jnp
from jax import lax
from jax.experimental import pallas as pl
from jax.experimental.pallas import tpu as pltpu
from jax.experimental.pallas import tpu_sc as plsc

N_NODES = 10000
D_FEAT = 128
D_HALF = 64
D_HID = 128
D_OUT = 64
N_EDGES = 320000

NC = 2
NS = 16

CHUNK = 128
NCHUNK = 160
NCHUNK_HALF = NCHUNK // NC
EDGES_PER_TILE = CHUNK * NCHUNK
E_PAD = EDGES_PER_TILE * NS

N_PAD = 10240
ROWS_PER_TILE = N_PAD // NS
DEGW = 16


def _make_conv(with_deg: bool):
    mesh = plsc.VectorSubcoreMesh(core_axis_name="c", subcore_axis_name="s")
    out_type = [jax.ShapeDtypeStruct((N_PAD, D_HALF), jnp.float32),
                jax.ShapeDtypeStruct((N_PAD, D_HALF), jnp.float32)]
    scratch = [
        pltpu.VMEM((NCHUNK, CHUNK), jnp.int32),
        pltpu.VMEM((NCHUNK, CHUNK), jnp.int32),
        pltpu.VMEM((2, CHUNK, D_HALF), jnp.float32),
        pltpu.VMEM_SHARED((N_PAD, D_HALF), jnp.float32),
        pltpu.SemaphoreType.DMA,
        pltpu.SemaphoreType.DMA,
    ]
    if with_deg:
        out_type.append(jax.ShapeDtypeStruct((NC, N_PAD, DEGW), jnp.float32))
        scratch.append(pltpu.VMEM((CHUNK, DEGW), jnp.float32))
        scratch.append(pltpu.VMEM_SHARED((N_PAD, DEGW), jnp.float32))
        scratch.append(pltpu.SemaphoreType.DMA)

    def body(*refs):
        if with_deg:
            (xl_hbm, xr_hbm, src_hbm, dst_hbm, zagg_hbm, zdeg_hbm, ones_hbm,
             outl, outr, out_deg,
             src_v, dst_v, gbuf, agg_sh, sem_g, sem_s,
             ones_v, deg_sh, sem_d) = refs
        else:
            (xl_hbm, xr_hbm, src_hbm, dst_hbm, zagg_hbm,
             outl, outr,
             src_v, dst_v, gbuf, agg_sh, sem_g, sem_s) = refs
        cid = lax.axis_index("c")
        sid = lax.axis_index("s")
        rows = pl.ds(sid * ROWS_PER_TILE, ROWS_PER_TILE)
        pltpu.sync_copy(zagg_hbm.at[rows], agg_sh.at[rows])
        if with_deg:
            pltpu.sync_copy(zdeg_hbm.at[rows], deg_sh.at[rows])
            pltpu.sync_copy(ones_hbm, ones_v)
        pltpu.sync_copy(src_hbm.at[sid], src_v)
        pltpu.sync_copy(dst_hbm.at[sid], dst_v)
        plsc.subcore_barrier()

        lo = cid * NCHUNK_HALF
        hi = lo + NCHUNK_HALF

        def make_loop(table):
            def wait_gather(b):
                pltpu.make_async_copy(
                    table.at[src_v.at[0]], gbuf.at[b], sem_g).wait()

            def wait_scatter(b):
                pltpu.make_async_copy(
                    gbuf.at[b], agg_sh.at[pl.ds(0, CHUNK)], sem_s).wait()

            def step(w, carry):
                for b in range(2):
                    i = 2 * w + b
                    nb = 1 - b
                    wait_gather(b)

                    @pl.when(i >= 1)
                    def _():
                        wait_scatter(nb)

                    @pl.when(i <= NCHUNK - 2)
                    def _():
                        pltpu.async_copy(
                            table.at[src_v.at[i + 1]], gbuf.at[nb], sem_g)

                    pltpu.async_copy(
                        gbuf.at[b], agg_sh.at[dst_v.at[i]], sem_s, add=True)
                    if with_deg:
                        @pl.when((i > lo) & (i < hi))
                        def _():
                            pltpu.make_async_copy(
                                ones_v, deg_sh.at[pl.ds(0, CHUNK)],
                                sem_d).wait()

                        @pl.when((i >= lo) & (i < hi))
                        def _():
                            pltpu.async_copy(
                                ones_v, deg_sh.at[dst_v.at[i]], sem_d,
                                add=True)
                return carry

            pltpu.async_copy(table.at[src_v.at[0]], gbuf.at[0], sem_g)
            lax.fori_loop(0, NCHUNK // 2, step, 0)
            wait_scatter(1)
            if with_deg:
                pltpu.make_async_copy(
                    ones_v, deg_sh.at[pl.ds(0, CHUNK)], sem_d).wait()

        @pl.when(cid == 0)
        def _():
            make_loop(xl_hbm)

        @pl.when(cid == 1)
        def _():
            make_loop(xr_hbm)

        plsc.subcore_barrier()

        @pl.when(cid == 0)
        def _():
            pltpu.sync_copy(agg_sh.at[rows], outl.at[rows])

        @pl.when(cid == 1)
        def _():
            pltpu.sync_copy(agg_sh.at[rows], outr.at[rows])

        if with_deg:
            pltpu.sync_copy(deg_sh.at[rows], out_deg.at[cid, rows])

    return pl.kernel(body, mesh=mesh, out_type=out_type,
                     scratch_types=scratch,
                     compiler_params=pltpu.CompilerParams(
                         use_tc_tiling_on_sc=False))


_conv_deg = _make_conv(True)
_conv = _make_conv(False)

_R = 1000


def _tc1_body(al, ar, d0, d1, w1, b1, ol, orr):
    deg = jnp.maximum(d0[:, 0:1] + d1[:, 0:1], 1.0)
    agg = jnp.concatenate([al[...], ar[...]], axis=1) / deg
    h = jnp.dot(agg, w1[...], preferred_element_type=jnp.float32,
                precision=lax.Precision.HIGHEST) + b1[...]
    h = jnp.maximum(h, 0.0)
    n2 = jnp.sum(h * h, axis=1, keepdims=True)
    h = h * lax.rsqrt(jnp.maximum(n2, 1e-24))
    ol[...] = h[:, :D_HALF]
    orr[...] = h[:, D_HALF:]


def _tc2_body(al, ar, d0, d1, w2a, b2a, w2b, b2b, o):
    deg = jnp.maximum(d0[:, 0:1] + d1[:, 0:1], 1.0)
    agg = jnp.concatenate([al[...], ar[...]], axis=1) / deg
    h = jnp.dot(agg, w2a[...], preferred_element_type=jnp.float32,
                precision=lax.Precision.HIGHEST) + b2a[...]
    h = jnp.maximum(h, 0.0)
    h = jnp.dot(h, w2b[...], preferred_element_type=jnp.float32,
                precision=lax.Precision.HIGHEST) + b2b[...]
    n2 = jnp.sum(h * h, axis=1, keepdims=True)
    o[...] = h * lax.rsqrt(jnp.maximum(n2, 1e-24))


def _row_spec(d):
    return pl.BlockSpec((_R, d), lambda i: (i, 0))


def _full_spec(r, d):
    return pl.BlockSpec((r, d), lambda i: (0, 0))


_tc1 = pl.pallas_call(
    _tc1_body,
    grid=(N_NODES // _R,),
    in_specs=[_row_spec(D_HALF), _row_spec(D_HALF),
              _row_spec(DEGW), _row_spec(DEGW),
              _full_spec(D_FEAT, D_FEAT), _full_spec(1, D_FEAT)],
    out_specs=[_row_spec(D_HALF), _row_spec(D_HALF)],
    out_shape=[jax.ShapeDtypeStruct((N_NODES, D_HALF), jnp.float32),
               jax.ShapeDtypeStruct((N_NODES, D_HALF), jnp.float32)],
)

_tc2 = pl.pallas_call(
    _tc2_body,
    grid=(N_NODES // _R,),
    in_specs=[_row_spec(D_HALF), _row_spec(D_HALF),
              _row_spec(DEGW), _row_spec(DEGW),
              _full_spec(D_FEAT, D_HID), _full_spec(1, D_HID),
              _full_spec(D_HID, D_OUT), _full_spec(1, D_OUT)],
    out_specs=_row_spec(D_OUT),
    out_shape=jax.ShapeDtypeStruct((N_NODES, D_OUT), jnp.float32),
)


def _pad_half(a):
    return jnp.pad(a, ((0, N_PAD - N_NODES), (0, 0)))


def kernel(x, edge_index, W1, b1, W2a, b2a, W2b, b2b):
    src = edge_index[0].astype(jnp.int32)
    dst = edge_index[1].astype(jnp.int32)
    pad = E_PAD - N_EDGES
    src_p = jnp.concatenate(
        [src, jnp.zeros((pad,), jnp.int32)]).reshape(NS, NCHUNK, CHUNK)
    dst_p = jnp.concatenate(
        [dst, jnp.full((pad,), N_NODES, jnp.int32)]).reshape(NS, NCHUNK, CHUNK)
    zagg = jnp.zeros((N_PAD, D_HALF), jnp.float32)
    zdeg = jnp.zeros((N_PAD, DEGW), jnp.float32)
    ones = jnp.ones((CHUNK, DEGW), jnp.float32)

    xl = x[:, :D_HALF]
    xr = x[:, D_HALF:]
    aggl, aggr, deg_p = _conv_deg(xl, xr, src_p, dst_p, zagg, zdeg, ones)
    d0 = deg_p[0, :N_NODES]
    d1 = deg_p[1, :N_NODES]
    hl, hr = _tc1(aggl[:N_NODES], aggr[:N_NODES], d0, d1,
                  W1, b1.reshape(1, D_FEAT))
    aggl2, aggr2 = _conv(hl, hr, src_p, dst_p, zagg)
    out = _tc2(aggl2[:N_NODES], aggr2[:N_NODES], d0, d1,
               W2a, b2a.reshape(1, D_HID), W2b, b2b.reshape(1, D_OUT))
    return out

# --- scband reference (transcript-rebuilt; emitter-appended) ---
"""Pipeline reference for scband-net-3882650435790 (READ-ONLY COPY).

The authoritative reference and input builder live on the scoring server;
editing this copy changes nothing except your own understanding.
"""

import jax, jax.numpy as jnp
import numpy as np

N_NODES = 10000
N_EDGES = 320000
D_FEAT = 128
D_HID = 128
D_OUT = 64


def setup_inputs(seed: int = 0) -> dict:
    key = jax.random.key(seed)
    k1, k2, k3, k4, k5, k6, k7, k8 = jax.random.split(key, 8)
    x = jax.random.normal(k1, (N_NODES, D_FEAT), dtype=jnp.float32)
    edge_index = jax.random.randint(k2, (2, N_EDGES), 0, N_NODES, dtype=jnp.int64)
    # MLP params: layer-0 MLP (1 linear, ch->ch), final MLP (2 linear, ch->hid->out)
    s1 = 1.0 / np.sqrt(D_FEAT)
    s2 = 1.0 / np.sqrt(D_HID)
    W1 = jax.random.uniform(k3, (D_FEAT, D_FEAT), jnp.float32, -s1, s1)
    b1 = jax.random.uniform(k4, (D_FEAT,), jnp.float32, -s1, s1)
    W2a = jax.random.uniform(k5, (D_FEAT, D_HID), jnp.float32, -s1, s1)
    b2a = jax.random.uniform(k6, (D_HID,), jnp.float32, -s1, s1)
    W2b = jax.random.uniform(k7, (D_HID, D_OUT), jnp.float32, -s2, s2)
    b2b = jax.random.uniform(k8, (D_OUT,), jnp.float32, -s2, s2)
    return {"x": x, "edge_index": edge_index, "W1": W1, "b1": b1,
            "W2a": W2a, "b2a": b2a, "W2b": W2b, "b2b": b2b}


def _aniso_conv(x, src, dst, n_nodes):
    # AnisoConv with adj_norm=True, kernel=None: row-normalized adjacency matmul
    # (mean aggregation of source-node features into destination nodes)
    msg = jnp.take(x, src, axis=0)                                   # gather [E, d]
    agg = jax.ops.segment_sum(msg, dst, num_segments=n_nodes)         # scatter-add
    deg = jax.ops.segment_sum(jnp.ones((src.shape[0],), dtype=x.dtype), dst,
                              num_segments=n_nodes)
    return agg / jnp.maximum(deg, 1.0)[:, None]


def _vec_norm(x):
    return x / jnp.maximum(jnp.linalg.norm(x, axis=-1, keepdims=True), 1e-12)


def reference(x, edge_index, W1, b1, W2a, b2a, W2b, b2b):
    src = edge_index[0]
    dst = edge_index[1]
    n = x.shape[0]
    # ---- layer 0: conv -> MLP(1 linear + relu) -> vec_norm ----
    h = _aniso_conv(x, src, dst, n)
    h = jax.nn.relu(h @ W1 + b1)
    h = _vec_norm(h)
    # ---- layer 1: conv -> MLP(2 linear, relu between) -> vec_norm ----
    h = _aniso_conv(h, src, dst, n)
    h = jax.nn.relu(h @ W2a + b2a)
    h = h @ W2b + b2b
    h = _vec_norm(h)
    return h

if __name__ == "__main__":
    import jax
    _d = setup_inputs()
    print(jax.jit(kernel)(*tuple(_d.values())))

</pallas_src>

<mosaic_0001>
#map = affine_map<(d0, d1) -> (0, 0)>
#map1 = affine_map<(d0, d1) -> (0, 0, 0)>
module attributes {stable_mosaic.version = 14 : i64} {
  func.func @body(%arg0: i32, %arg1: i32, %arg2: memref<10000x64xf32, #tpu.memory_space<hbm>>, %arg3: memref<10000x64xf32, #tpu.memory_space<hbm>>, %arg4: memref<16x160x128xi32, #tpu.memory_space<hbm>>, %arg5: memref<16x160x128xi32, #tpu.memory_space<hbm>>, %arg6: memref<10240x64xf32, #tpu.memory_space<hbm>>, %arg7: memref<10240x64xf32, #tpu.memory_space<hbm>>, %arg8: memref<10240x64xf32, #tpu.memory_space<hbm>>, %arg9: memref<160x128xi32, #tpu.memory_space<vmem>>, %arg10: memref<160x128xi32, #tpu.memory_space<vmem>>, %arg11: memref<2x128x64xf32, #tpu.memory_space<vmem>>, %arg12: memref<10240x64xf32, #tpu.memory_space<vmem_shared>>, %arg13: memref<!tpu.dma_semaphore, #tpu.memory_space<semaphore_mem>>, %arg14: memref<!tpu.dma_semaphore, #tpu.memory_space<semaphore_mem>>) attributes {dimension_semantics = [#tpu.dimension_semantics<core_parallel>, #tpu.dimension_semantics<subcore_parallel>], iteration_bounds = array<i64: 2, 16>, scalar_prefetch = 0 : i64, scratch_operands = 6 : i64, tpu.core_type = #tpu.core_type<sc_vector_subcore>, window_params = [{transform_indices = #map}, {transform_indices = #map}, {transform_indices = #map1}, {transform_indices = #map1}, {transform_indices = #map}, {transform_indices = #map}, {transform_indices = #map}]} {
    %mul3A = arith.constant 640 : i32
    %mul3A_0 = arith.muli %arg1, %mul3A : i32
    "tpu.region"() ({
      %run_scoped3A = tpu.sem_alloc : memref<!tpu.dma_semaphore, #tpu.memory_space<semaphore_mem>>
      %dma_start3A = arith.constant 0 : i32
      %dma_start3A_22 = tpu.memref_slice %arg12[%mul3A_0, %dma_start3A] : memref<10240x64xf32, #tpu.memory_space<vmem_shared>> -> memref<640x64xf32, #tpu.memory_space<vmem_shared>>
      %dma_start3A_23 = arith.constant 0 : i32
      %dma_start3A_24 = tpu.memref_slice %arg6[%mul3A_0, %dma_start3A_23] : memref<10240x64xf32, #tpu.memory_space<hbm>> -> memref<640x64xf32, #tpu.memory_space<hbm>>
      tpu.enqueue_dma source(%dma_start3A_24 : memref<640x64xf32, #tpu.memory_space<hbm>>) target(%dma_start3A_22 : memref<640x64xf32, #tpu.memory_space<vmem_shared>>) target_semaphore(%run_scoped3A : memref<!tpu.dma_semaphore, #tpu.memory_space<semaphore_mem>>)
      %dma_wait3A = arith.constant 0 : i32
      %dma_wait3A_25 = tpu.memref_slice %arg12[%mul3A_0, %dma_wait3A] : memref<10240x64xf32, #tpu.memory_space<vmem_shared>> -> memref<640x64xf32, #tpu.memory_space<vmem_shared>>
      %dma_wait3A_26 = arith.constant 0 : i32
      %dma_wait3A_27 = tpu.memref_slice %arg6[%mul3A_0, %dma_wait3A_26] : memref<10240x64xf32, #tpu.memory_space<hbm>> -> memref<640x64xf32, #tpu.memory_space<hbm>>
      tpu.wait_dma2 semaphore(%run_scoped3A : memref<!tpu.dma_semaphore, #tpu.memory_space<semaphore_mem>>) src(%dma_wait3A_27 : memref<640x64xf32, #tpu.memory_space<hbm>>) dst(%dma_wait3A_25 : memref<640x64xf32, #tpu.memory_space<vmem_shared>>)
      tpu.yield
    }) : () -> ()
    "tpu.region"() ({
      %run_scoped3A = tpu.sem_alloc : memref<!tpu.dma_semaphore, #tpu.memory_space<semaphore_mem>>
      %dma_start3A = arith.constant 0 : i32
      %dma_start3A_22 = arith.constant 0 : i32
      %dma_start3A_23 = tpu.memref_slice %arg4[%arg1, %dma_start3A, %dma_start3A_22] : memref<16x160x128xi32, #tpu.memory_space<hbm>> -> memref<1x160x128xi32, #tpu.memory_space<hbm>>
      %dma_start3A_24 = tpu.memref_squeeze %dma_start3A_23 : memref<1x160x128xi32, #tpu.memory_space<hbm>> -> memref<160x128xi32, #tpu.memory_space<hbm>>
      %dma_start3A_25 = arith.constant 0 : i32
      %dma_start3A_26 = arith.constant 0 : i32
      %dma_start3A_27 = tpu.memref_slice %arg4[%arg1, %dma_start3A_25, %dma_start3A_26] : memref<16x160x128xi32, #tpu.memory_space<hbm>> -> memref<1x160x128xi32, #tpu.memory_space<hbm>>
      %dma_start3A_28 = tpu.memref_squeeze %dma_start3A_27 : memref<1x160x128xi32, #tpu.memory_space<hbm>> -> memref<160x128xi32, #tpu.memory_space<hbm>>
      tpu.enqueue_dma source(%dma_start3A_28 : memref<160x128xi32, #tpu.memory_space<hbm>>) target(%arg9 : memref<160x128xi32, #tpu.memory_space<vmem>>) target_semaphore(%run_scoped3A : memref<!tpu.dma_semaphore, #tpu.memory_space<semaphore_mem>>)
      %dma_wait3A = arith.constant 0 : i32
      %dma_wait3A_29 = arith.constant 0 : i32
      %dma_wait3A_30 = tpu.memref_slice %arg4[%arg1, %dma_wait3A, %dma_wait3A_29] : memref<16x160x128xi32, #tpu.memory_space<hbm>> -> memref<1x160x128xi32, #tpu.memory_space<hbm>>
      %dma_wait3A_31 = tpu.memref_squeeze %dma_wait3A_30 : memref<1x160x128xi32, #tpu.memory_space<hbm>> -> memref<160x128xi32, #tpu.memory_space<hbm>>
      %dma_wait3A_32 = arith.constant 0 : i32
      %dma_wait3A_33 = arith.constant 0 : i32
      %dma_wait3A_34 = tpu.memref_slice %arg4[%arg1, %dma_wait3A_32, %dma_wait3A_33] : memref<16x160x128xi32, #tpu.memory_space<hbm>> -> memref<1x160x128xi32, #tpu.memory_space<hbm>>
      %dma_wait3A_35 = tpu.memref_squeeze %dma_wait3A_34 : memref<1x160x128xi32, #tpu.memory_space<hbm>> -> memref<160x128xi32, #tpu.memory_space<hbm>>
      tpu.wait_dma2 semaphore(%run_scoped3A : memref<!tpu.dma_semaphore, #tpu.memory_space<semaphore_mem>>) src(%dma_wait3A_35 : memref<160x128xi32, #tpu.memory_space<hbm>>) dst(%arg9 : memref<160x128xi32, #tpu.memory_space<vmem>>)
      tpu.yield
    }) : () -> ()
    "tpu.region"() ({
      %run_scoped3A = tpu.sem_alloc : memref<!tpu.dma_semaphore, #tpu.memory_space<semaphore_mem>>
      %dma_start3A = arith.constant 0 : i32
      %dma_start3A_22 = arith.constant 0 : i32
      %dma_start3A_23 = tpu.memref_slice %arg5[%arg1, %dma_start3A, %dma_start3A_22] : memref<16x160x128xi32, #tpu.memory_space<hbm>> -> memref<1x160x128xi32, #tpu.memory_space<hbm>>
      %dma_start3A_24 = tpu.memref_squeeze %dma_start3A_23 : memref<1x160x128xi32, #tpu.memory_space<hbm>> -> memref<160x128xi32, #tpu.memory_space<hbm>>
      %dma_start3A_25 = arith.constant 0 : i32
      %dma_start3A_26 = arith.constant 0 : i32
      %dma_start3A_27 = tpu.memref_slice %arg5[%arg1, %dma_start3A_25, %dma_start3A_26] : memref<16x160x128xi32, #tpu.memory_space<hbm>> -> memref<1x160x128xi32, #tpu.memory_space<hbm>>
      %dma_start3A_28 = tpu.memref_squeeze %dma_start3A_27 : memref<1x160x128xi32, #tpu.memory_space<hbm>> -> memref<160x128xi32, #tpu.memory_space<hbm>>
      tpu.enqueue_dma source(%dma_start3A_28 : memref<160x128xi32, #tpu.memory_space<hbm>>) target(%arg10 : memref<160x128xi32, #tpu.memory_space<vmem>>) target_semaphore(%run_scoped3A : memref<!tpu.dma_semaphore, #tpu.memory_space<semaphore_mem>>)
      %dma_wait3A = arith.constant 0 : i32
      %dma_wait3A_29 = arith.constant 0 : i32
      %dma_wait3A_30 = tpu.memref_slice %arg5[%arg1, %dma_wait3A, %dma_wait3A_29] : memref<16x160x128xi32, #tpu.memory_space<hbm>> -> memref<1x160x128xi32, #tpu.memory_space<hbm>>
      %dma_wait3A_31 = tpu.memref_squeeze %dma_wait3A_30 : memref<1x160x128xi32, #tpu.memory_space<hbm>> -> memref<160x128xi32, #tpu.memory_space<hbm>>
      %dma_wait3A_32 = arith.constant 0 : i32
      %dma_wait3A_33 = arith.constant 0 : i32
      %dma_wait3A_34 = tpu.memref_slice %arg5[%arg1, %dma_wait3A_32, %dma_wait3A_33] : memref<16x160x128xi32, #tpu.memory_space<hbm>> -> memref<1x160x128xi32, #tpu.memory_space<hbm>>
      %dma_wait3A_35 = tpu.memref_squeeze %dma_wait3A_34 : memref<1x160x128xi32, #tpu.memory_space<hbm>> -> memref<160x128xi32, #tpu.memory_space<hbm>>
      tpu.wait_dma2 semaphore(%run_scoped3A : memref<!tpu.dma_semaphore, #tpu.memory_space<semaphore_mem>>) src(%dma_wait3A_35 : memref<160x128xi32, #tpu.memory_space<hbm>>) dst(%arg10 : memref<160x128xi32, #tpu.memory_space<vmem>>)
      tpu.yield
    }) : () -> ()
    %barrier3A = arith.constant 0 : index
    tpu.barrier barrier_id(%barrier3A)
    %mul3A_1 = arith.constant 80 : i32
    %mul3A_2 = arith.muli %arg0, %mul3A_1 : i32
    %add3A = arith.constant 80 : i32
    %add3A_3 = arith.addi %mul3A_2, %add3A : i32
    %eq3A = arith.constant 0 : i32
    %eq3A_4 = arith.cmpi eq, %arg0, %eq3A : i32
    %convert_element_type3A = arith.extui %eq3A_4 : i1 to i32
    %cond3A = arith.constant 0 : i32
    %cond3A_5 = arith.cmpi ne, %convert_element_type3A, %cond3A : i32
    scf.if %cond3A_5 {
      %dma_start3A = arith.constant 0 : i32
      %dma_start3A_22 = arith.constant 0 : i32
      %dma_start3A_23 = arith.constant 0 : i32
      %dma_start3A_24 = arith.constant 0 : i32
      %dma_start3A_25 = tpu.memref_slice %arg11[%dma_start3A_22, %dma_start3A_23, %dma_start3A_24] : memref<2x128x64xf32, #tpu.memory_space<vmem>> -> memref<1x128x64xf32, #tpu.memory_space<vmem>>
      %dma_start3A_26 = tpu.memref_squeeze %dma_start3A_25 : memref<1x128x64xf32, #tpu.memory_space<vmem>> -> memref<128x64xf32, #tpu.memory_space<vmem>>
      %dma_start3A_27 = arith.constant 0 : i32
      %dma_start3A_28 = tpu.memref_slice %arg9[%dma_start3A, %dma_start3A_27] : memref<160x128xi32, #tpu.memory_space<vmem>> -> memref<1x128xi32, #tpu.memory_space<vmem>>
      %dma_start3A_29 = tpu.memref_squeeze %dma_start3A_28 : memref<1x128xi32, #tpu.memory_space<vmem>> -> memref<128xi32, #tpu.memory_space<vmem>>
      %dma_start3A_30 = arith.constant 0 : i32
      %dma_start3A_31 = arith.constant 0 : i32
      %dma_start3A_32 = tpu.memref_slice %arg2[%dma_start3A_30, %dma_start3A_31] : memref<10000x64xf32, #tpu.memory_space<hbm>> -> memref<10000x64xf32, #tpu.memory_space<hbm>>
      tpu.enqueue_indirect_dma source(%dma_start3A_32 : memref<10000x64xf32, #tpu.memory_space<hbm>>) target(%dma_start3A_26 : memref<128x64xf32, #tpu.memory_space<vmem>>) offsets(%dma_start3A_29 : memref<128xi32, #tpu.memory_space<vmem>>) semaphore(%arg13 : memref<!tpu.dma_semaphore, #tpu.memory_space<semaphore_mem>>)
      %scan3A = arith.constant 0 : i32
      %scan3A_33 = arith.constant 0 : i32
      %scan3A_34 = arith.constant 80 : i32
      %scan3A_35 = arith.addi %scan3A_33, %scan3A_34 : i32
      %scan3A_36 = arith.constant 1 : i32
      scf.for %scan3A_52 = %scan3A_33 to %scan3A_35 step %scan3A_36  : i32 {
        %mul3A_53 = arith.constant 2 : i32
        %mul3A_54 = arith.muli %mul3A_53, %scan3A_52 : i32
        %add3A_55 = arith.constant 0 : i32
        %add3A_56 = arith.addi %mul3A_54, %add3A_55 : i32
        %dma_wait3A_57 = arith.constant 0 : i32
        %dma_wait3A_58 = arith.constant 0 : i32
        %dma_wait3A_59 = arith.constant 0 : i32
        %dma_wait3A_60 = arith.constant 0 : i32
        %dma_wait3A_61 = tpu.memref_slice %arg11[%dma_wait3A_58, %dma_wait3A_59, %dma_wait3A_60] : memref<2x128x64xf32, #tpu.memory_space<vmem>> -> memref<1x128x64xf32, #tpu.memory_space<vmem>>
        %dma_wait3A_62 = tpu.memref_squeeze %dma_wait3A_61 : memref<1x128x64xf32, #tpu.memory_space<vmem>> -> memref<128x64xf32, #tpu.memory_space<vmem>>
        %dma_wait3A_63 = arith.constant 0 : i32
        %dma_wait3A_64 = tpu.memref_slice %arg9[%dma_wait3A_57, %dma_wait3A_63] : memref<160x128xi32, #tpu.memory_space<vmem>> -> memref<1x128xi32, #tpu.memory_space<vmem>>
        %dma_wait3A_65 = tpu.memref_squeeze %dma_wait3A_64 : memref<1x128xi32, #tpu.memory_space<vmem>> -> memref<128xi32, #tpu.memory_space<vmem>>
        %dma_wait3A_66 = arith.constant 0 : i32
        %dma_wait3A_67 = arith.constant 0 : i32
        %dma_wait3A_68 = tpu.memref_slice %arg2[%dma_wait3A_66, %dma_wait3A_67] : memref<10000x64xf32, #tpu.memory_space<hbm>> -> memref<10000x64xf32, #tpu.memory_space<hbm>>
        tpu.wait_indirect_dma semaphore(%arg13 : memref<!tpu.dma_semaphore, #tpu.memory_space<semaphore_mem>>) src(%dma_wait3A_68 : memref<10000x64xf32, #tpu.memory_space<hbm>>) dst(%dma_wait3A_62 : memref<128x64xf32, #tpu.memory_space<vmem>>)
        %ge3A = arith.constant 1 : i32
        %ge3A_69 = arith.cmpi sge, %add3A_56, %ge3A : i32
        %convert_element_type3A_70 = arith.extui %ge3A_69 : i1 to i32
        %cond3A_71 = arith.constant 0 : i32
        %cond3A_72 = arith.cmpi ne, %convert_element_type3A_70, %cond3A_71 : i32
        scf.if %cond3A_72 {
          %dma_wait3A_125 = arith.constant 1 : i32
          %dma_wait3A_126 = arith.constant 0 : i32
          %dma_wait3A_127 = arith.constant 0 : i32
          %dma_wait3A_128 = tpu.memref_slice %arg11[%dma_wait3A_125, %dma_wait3A_126, %dma_wait3A_127] : memref<2x128x64xf32, #tpu.memory_space<vmem>> -> memref<1x128x64xf32, #tpu.memory_space<vmem>>
          %dma_wait3A_129 = tpu.memref_squeeze %dma_wait3A_128 : memref<1x128x64xf32, #tpu.memory_space<vmem>> -> memref<128x64xf32, #tpu.memory_space<vmem>>
          %dma_wait3A_130 = arith.constant 0 : i32
          %dma_wait3A_131 = arith.constant 0 : i32
          %dma_wait3A_132 = tpu.memref_slice %arg12[%dma_wait3A_130, %dma_wait3A_131] : memref<10240x64xf32, #tpu.memory_space<vmem_shared>> -> memref<128x64xf32, #tpu.memory_space<vmem_shared>>
          %dma_wait3A_133 = arith.constant 0 : i32
          %dma_wait3A_134 = arith.constant 0 : i32
          %dma_wait3A_135 = tpu.memref_slice %arg12[%dma_wait3A_133, %dma_wait3A_134] : memref<10240x64xf32, #tpu.memory_space<vmem_shared>> -> memref<128x64xf32, #tpu.memory_space<vmem_shared>>
          %dma_wait3A_136 = arith.constant 0 : i32
          %dma_wait3A_137 = arith.constant 0 : i32
          %dma_wait3A_138 = tpu.memref_slice %arg11[%dma_wait3A_125, %dma_wait3A_136, %dma_wait3A_137] : memref<2x128x64xf32, #tpu.memory_space<vmem>> -> memref<1x128x64xf32, #tpu.memory_space<vmem>>
          %dma_wait3A_139 = tpu.memref_squeeze %dma_wait3A_138 : memref<1x128x64xf32, #tpu.memory_space<vmem>> -> memref<128x64xf32, #tpu.memory_space<vmem>>
          tpu.wait_dma2 semaphore(%arg14 : memref<!tpu.dma_semaphore, #tpu.memory_space<semaphore_mem>>) src(%dma_wait3A_139 : memref<128x64xf32, #tpu.memory_space<vmem>>) dst(%dma_wait3A_135 : memref<128x64xf32, #tpu.memory_space<vmem_shared>>)
        } else {
        }
        %le3A = arith.constant 158 : i32
        %le3A_73 = arith.cmpi sle, %add3A_56, %le3A : i32
        %convert_element_type3A_74 = arith.extui %le3A_73 : i1 to i32
        %cond3A_75 = arith.constant 0 : i32
        %cond3A_76 = arith.cmpi ne, %convert_element_type3A_74, %cond3A_75 : i32
        scf.if %cond3A_76 {
          %add3A_125 = arith.constant 1 : i32
          %add3A_126 = arith.addi %add3A_56, %add3A_125 : i32
          %dma_start3A_127 = arith.constant 1 : i32
          %dma_start3A_128 = arith.constant 0 : i32
          %dma_start3A_129 = arith.constant 0 : i32
          %dma_start3A_130 = tpu.memref_slice %arg11[%dma_start3A_127, %dma_start3A_128, %dma_start3A_129] : memref<2x128x64xf32, #tpu.memory_space<vmem>> -> memref<1x128x64xf32, #tpu.memory_space<vmem>>
          %dma_start3A_131 = tpu.memref_squeeze %dma_start3A_130 : memref<1x128x64xf32, #tpu.memory_space<vmem>> -> memref<128x64xf32, #tpu.memory_space<vmem>>
          %dma_start3A_132 = arith.constant 0 : i32
          %dma_start3A_133 = tpu.memref_slice %arg9[%add3A_126, %dma_start3A_132] : memref<160x128xi32, #tpu.memory_space<vmem>> -> memref<1x128xi32, #tpu.memory_space<vmem>>
          %dma_start3A_134 = tpu.memref_squeeze %dma_start3A_133 : memref<1x128xi32, #tpu.memory_space<vmem>> -> memref<128xi32, #tpu.memory_space<vmem>>
          %dma_start3A_135 = arith.constant 0 : i32
          %dma_start3A_136 = arith.constant 0 : i32
          %dma_start3A_137 = tpu.memref_slice %arg2[%dma_start3A_135, %dma_start3A_136] : memref<10000x64xf32, #tpu.memory_space<hbm>> -> memref<10000x64xf32, #tpu.memory_space<hbm>>
          tpu.enqueue_indirect_dma source(%dma_start3A_137 : memref<10000x64xf32, #tpu.memory_space<hbm>>) target(%dma_start3A_131 : memref<128x64xf32, #tpu.memory_space<vmem>>) offsets(%dma_start3A_134 : memref<128xi32, #tpu.memory_space<vmem>>) semaphore(%arg13 : memref<!tpu.dma_semaphore, #tpu.memory_space<semaphore_mem>>)
        } else {
        }
        %dma_start3A_77 = arith.constant 0 : i32
        %dma_start3A_78 = arith.constant 0 : i32
        %dma_start3A_79 = arith.constant 0 : i32
        %dma_start3A_80 = tpu.memref_slice %arg11[%dma_start3A_77, %dma_start3A_78, %dma_start3A_79] : memref<2x128x64xf32, #tpu.memory_space<vmem>> -> memref<1x128x64xf32, #tpu.memory_space<vmem>>
        %dma_start3A_81 = tpu.memref_squeeze %dma_start3A_80 : memref<1x128x64xf32, #tpu.memory_space<vmem>> -> memref<128x64xf32, #tpu.memory_space<vmem>>
        %dma_start3A_82 = arith.constant 0 : i32
        %dma_start3A_83 = tpu.memref_slice %arg10[%add3A_56, %dma_start3A_82] : memref<160x128xi32, #tpu.memory_space<vmem>> -> memref<1x128xi32, #tpu.memory_space<vmem>>
        %dma_start3A_84 = tpu.memref_squeeze %dma_start3A_83 : memref<1x128xi32, #tpu.memory_space<vmem>> -> memref<128xi32, #tpu.memory_space<vmem>>
        %dma_start3A_85 = arith.constant 0 : i32
        %dma_start3A_86 = arith.constant 0 : i32
        %dma_start3A_87 = tpu.memref_slice %arg12[%dma_start3A_85, %dma_start3A_86] : memref<10240x64xf32, #tpu.memory_space<vmem_shared>> -> memref<10240x64xf32, #tpu.memory_space<vmem_shared>>
        tpu.enqueue_indirect_dma source(%dma_start3A_81 : memref<128x64xf32, #tpu.memory_space<vmem>>) target(%dma_start3A_87 : memref<10240x64xf32, #tpu.memory_space<vmem_shared>>) offsets(%dma_start3A_84 : memref<128xi32, #tpu.memory_space<vmem>>) semaphore(%arg14 : memref<!tpu.dma_semaphore, #tpu.memory_space<semaphore_mem>>) {add = true}
        %mul3A_88 = arith.constant 2 : i32
        %mul3A_89 = arith.muli %mul3A_88, %scan3A_52 : i32
        %add3A_90 = arith.constant 1 : i32
        %add3A_91 = arith.addi %mul3A_89, %add3A_90 : i32
        %dma_wait3A_92 = arith.constant 0 : i32
        %dma_wait3A_93 = arith.constant 1 : i32
        %dma_wait3A_94 = arith.constant 0 : i32
        %dma_wait3A_95 = arith.constant 0 : i32
        %dma_wait3A_96 = tpu.memref_slice %arg11[%dma_wait3A_93, %dma_wait3A_94, %dma_wait3A_95] : memref<2x128x64xf32, #tpu.memory_space<vmem>> -> memref<1x128x64xf32, #tpu.memory_space<vmem>>
        %dma_wait3A_97 = tpu.memref_squeeze %dma_wait3A_96 : memref<1x128x64xf32, #tpu.memory_space<vmem>> -> memref<128x64xf32, #tpu.memory_space<vmem>>
        %dma_wait3A_98 = arith.constant 0 : i32
        %dma_wait3A_99 = tpu.memref_slice %arg9[%dma_wait3A_92, %dma_wait3A_98] : memref<160x128xi32, #tpu.memory_space<vmem>> -> memref<1x128xi32, #tpu.memory_space<vmem>>
        %dma_wait3A_100 = tpu.memref_squeeze %dma_wait3A_99 : memref<1x128xi32, #tpu.memory_space<vmem>> -> memref<128xi32, #tpu.memory_space<vmem>>
        %dma_wait3A_101 = arith.constant 0 : i32
        %dma_wait3A_102 = arith.constant 0 : i32
        %dma_wait3A_103 = tpu.memref_slice %arg2[%dma_wait3A_101, %dma_wait3A_102] : memref<10000x64xf32, #tpu.memory_space<hbm>> -> memref<10000x64xf32, #tpu.memory_space<hbm>>
        tpu.wait_indirect_dma semaphore(%arg13 : memref<!tpu.dma_semaphore, #tpu.memory_space<semaphore_mem>>) src(%dma_wait3A_103 : memref<10000x64xf32, #tpu.memory_space<hbm>>) dst(%dma_wait3A_97 : memref<128x64xf32, #tpu.memory_space<vmem>>)
        %ge3A_104 = arith.constant 1 : i32
        %ge3A_105 = arith.cmpi sge, %add3A_91, %ge3A_104 : i32
        %convert_element_type3A_106 = arith.extui %ge3A_105 : i1 to i32
        %cond3A_107 = arith.constant 0 : i32
        %cond3A_108 = arith.cmpi ne, %convert_element_type3A_106, %cond3A_107 : i32
        scf.if %cond3A_108 {
          %dma_wait3A_125 = arith.constant 0 : i32
          %dma_wait3A_126 = arith.constant 0 : i32
          %dma_wait3A_127 = arith.constant 0 : i32
          %dma_wait3A_128 = tpu.memref_slice %arg11[%dma_wait3A_125, %dma_wait3A_126, %dma_wait3A_127] : memref<2x128x64xf32, #tpu.memory_space<vmem>> -> memref<1x128x64xf32, #tpu.memory_space<vmem>>
          %dma_wait3A_129 = tpu.memref_squeeze %dma_wait3A_128 : memref<1x128x64xf32, #tpu.memory_space<vmem>> -> memref<128x64xf32, #tpu.memory_space<vmem>>
          %dma_wait3A_130 = arith.constant 0 : i32
          %dma_wait3A_131 = arith.constant 0 : i32
          %dma_wait3A_132 = tpu.memref_slice %arg12[%dma_wait3A_130, %dma_wait3A_131] : memref<10240x64xf32, #tpu.memory_space<vmem_shared>> -> memref<128x64xf32, #tpu.memory_space<vmem_shared>>
          %dma_wait3A_133 = arith.constant 0 : i32
          %dma_wait3A_134 = arith.constant 0 : i32
          %dma_wait3A_135 = tpu.memref_slice %arg12[%dma_wait3A_133, %dma_wait3A_134] : memref<10240x64xf32, #tpu.memory_space<vmem_shared>> -> memref<128x64xf32, #tpu.memory_space<vmem_shared>>
          %dma_wait3A_136 = arith.constant 0 : i32
          %dma_wait3A_137 = arith.constant 0 : i32
          %dma_wait3A_138 = tpu.memref_slice %arg11[%dma_wait3A_125, %dma_wait3A_136, %dma_wait3A_137] : memref<2x128x64xf32, #tpu.memory_space<vmem>> -> memref<1x128x64xf32, #tpu.memory_space<vmem>>
          %dma_wait3A_139 = tpu.memref_squeeze %dma_wait3A_138 : memref<1x128x64xf32, #tpu.memory_space<vmem>> -> memref<128x64xf32, #tpu.memory_space<vmem>>
          tpu.wait_dma2 semaphore(%arg14 : memref<!tpu.dma_semaphore, #tpu.memory_space<semaphore_mem>>) src(%dma_wait3A_139 : memref<128x64xf32, #tpu.memory_space<vmem>>) dst(%dma_wait3A_135 : memref<128x64xf32, #tpu.memory_space<vmem_shared>>)
        } else {
        }
        %le3A_109 = arith.constant 158 : i32
        %le3A_110 = arith.cmpi sle, %add3A_91, %le3A_109 : i32
        %convert_element_type3A_111 = arith.extui %le3A_110 : i1 to i32
        %cond3A_112 = arith.constant 0 : i32
        %cond3A_113 = arith.cmpi ne, %convert_element_type3A_111, %cond3A_112 : i32
        scf.if %cond3A_113 {
          %add3A_125 = arith.constant 1 : i32
          %add3A_126 = arith.addi %add3A_91, %add3A_125 : i32
          %dma_start3A_127 = arith.constant 0 : i32
          %dma_start3A_128 = arith.constant 0 : i32
          %dma_start3A_129 = arith.constant 0 : i32
          %dma_start3A_130 = tpu.memref_slice %arg11[%dma_start3A_127, %dma_start3A_128, %dma_start3A_129] : memref<2x128x64xf32, #tpu.memory_space<vmem>> -> memref<1x128x64xf32, #tpu.memory_space<vmem>>
          %dma_start3A_131 = tpu.memref_squeeze %dma_start3A_130 : memref<1x128x64xf32, #tpu.memory_space<vmem>> -> memref<128x64xf32, #tpu.memory_space<vmem>>
          %dma_start3A_132 = arith.constant 0 : i32
          %dma_start3A_133 = tpu.memref_slice %arg9[%add3A_126, %dma_start3A_132] : memref<160x128xi32, #tpu.memory_space<vmem>> -> memref<1x128xi32, #tpu.memory_space<vmem>>
          %dma_start3A_134 = tpu.memref_squeeze %dma_start3A_133 : memref<1x128xi32, #tpu.memory_space<vmem>> -> memref<128xi32, #tpu.memory_space<vmem>>
          %dma_start3A_135 = arith.constant 0 : i32
          %dma_start3A_136 = arith.constant 0 : i32
          %dma_start3A_137 = tpu.memref_slice %arg2[%dma_start3A_135, %dma_start3A_136] : memref<10000x64xf32, #tpu.memory_space<hbm>> -> memref<10000x64xf32, #tpu.memory_space<hbm>>
          tpu.enqueue_indirect_dma source(%dma_start3A_137 : memref<10000x64xf32, #tpu.memory_space<hbm>>) target(%dma_start3A_131 : memref<128x64xf32, #tpu.memory_space<vmem>>) offsets(%dma_start3A_134 : memref<128xi32, #tpu.memory_space<vmem>>) semaphore(%arg13 : memref<!tpu.dma_semaphore, #tpu.memory_space<semaphore_mem>>)
        } else {
        }
        %dma_start3A_114 = arith.constant 1 : i32
        %dma_start3A_115 = arith.constant 0 : i32
        %dma_start3A_116 = arith.constant 0 : i32
        %dma_start3A_117 = tpu.memref_slice %arg11[%dma_start3A_114, %dma_start3A_115, %dma_start3A_116] : memref<2x128x64xf32, #tpu.memory_space<vmem>> -> memref<1x128x64xf32, #tpu.memory_space<vmem>>
        %dma_start3A_118 = tpu.memref_squeeze %dma_start3A_117 : memref<1x128x64xf32, #tpu.memory_space<vmem>> -> memref<128x64xf32, #tpu.memory_space<vmem>>
        %dma_start3A_119 = arith.constant 0 : i32
        %dma_start3A_120 = tpu.memref_slice %arg10[%add3A_91, %dma_start3A_119] : memref<160x128xi32, #tpu.memory_space<vmem>> -> memref<1x128xi32, #tpu.memory_space<vmem>>
        %dma_start3A_121 = tpu.memref_squeeze %dma_start3A_120 : memref<1x128xi32, #tpu.memory_space<vmem>> -> memref<128xi32, #tpu.memory_space<vmem>>
        %dma_start3A_122 = arith.constant 0 : i32
        %dma_start3A_123 = arith.constant 0 : i32
        %dma_start3A_124 = tpu.memref_slice %arg12[%dma_start3A_122, %dma_start3A_123] : memref<10240x64xf32, #tpu.memory_space<vmem_shared>> -> memref<10240x64xf32, #tpu.memory_space<vmem_shared>>
        tpu.enqueue_indirect_dma source(%dma_start3A_118 : memref<128x64xf32, #tpu.memory_space<vmem>>) target(%dma_start3A_124 : memref<10240x64xf32, #tpu.memory_space<vmem_shared>>) offsets(%dma_start3A_121 : memref<128xi32, #tpu.memory_space<vmem>>) semaphore(%arg14 : memref<!tpu.dma_semaphore, #tpu.memory_space<semaphore_mem>>) {add = true}
      }
      %scan3A_37 = arith.constant 80 : i32
      %dma_wait3A = arith.constant 1 : i32
      %dma_wait3A_38 = arith.constant 0 : i32
      %dma_wait3A_39 = arith.constant 0 : i32
      %dma_wait3A_40 = tpu.memref_slice %arg11[%dma_wait3A, %dma_wait3A_38, %dma_wait3A_39] : memref<2x128x64xf32, #tpu.memory_space<vmem>> -> memref<1x128x64xf32, #tpu.memory_space<vmem>>
      %dma_wait3A_41 = tpu.memref_squeeze %dma_wait3A_40 : memref<1x128x64xf32, #tpu.memory_space<vmem>> -> memref<128x64xf32, #tpu.memory_space<vmem>>
      %dma_wait3A_42 = arith.constant 0 : i32
      %dma_wait3A_43 = arith.constant 0 : i32
      %dma_wait3A_44 = tpu.memref_slice %arg12[%dma_wait3A_42, %dma_wait3A_43] : memref<10240x64xf32, #tpu.memory_space<vmem_shared>> -> memref<128x64xf32, #tpu.memory_space<vmem_shared>>
      %dma_wait3A_45 = arith.constant 0 : i32
      %dma_wait3A_46 = arith.constant 0 : i32
      %dma_wait3A_47 = tpu.memref_slice %arg12[%dma_wait3A_45, %dma_wait3A_46] : memref<10240x64xf32, #tpu.memory_space<vmem_shared>> -> memref<128x64xf32, #tpu.memory_space<vmem_shared>>
      %dma_wait3A_48 = arith.constant 0 : i32
      %dma_wait3A_49 = arith.constant 0 : i32
      %dma_wait3A_50 = tpu.memref_slice %arg11[%dma_wait3A, %dma_wait3A_48, %dma_wait3A_49] : memref<2x128x64xf32, #tpu.memory_space<vmem>> -> memref<1x128x64xf32, #tpu.memory_space<vmem>>
      %dma_wait3A_51 = tpu.memref_squeeze %dma_wait3A_50 : memref<1x128x64xf32, #tpu.memory_space<vmem>> -> memref<128x64xf32, #tpu.memory_space<vmem>>
      tpu.wait_dma2 semaphore(%arg14 : memref<!tpu.dma_semaphore, #tpu.memory_space<semaphore_mem>>) src(%dma_wait3A_51 : memref<128x64xf32, #tpu.memory_space<vmem>>) dst(%dma_wait3A_47 : memref<128x64xf32, #tpu.memory_space<vmem_shared>>)
    } else {
    }
    %eq3A_6 = arith.constant 1 : i32
    %eq3A_7 = arith.cmpi eq, %arg0, %eq3A_6 : i32
    %convert_element_type3A_8 = arith.extui %eq3A_7 : i1 to i32
    %cond3A_9 = arith.constant 0 : i32
    %cond3A_10 = arith.cmpi ne, %convert_element_type3A_8, %cond3A_9 : i32
    scf.if %cond3A_10 {
      %dma_start3A = arith.constant 0 : i32
      %dma_start3A_22 = arith.constant 0 : i32
      %dma_start3A_23 = arith.constant 0 : i32
      %dma_start3A_24 = arith.constant 0 : i32
      %dma_start3A_25 = tpu.memref_slice %arg11[%dma_start3A_22, %dma_start3A_23, %dma_start3A_24] : memref<2x128x64xf32, #tpu.memory_space<vmem>> -> memref<1x128x64xf32, #tpu.memory_space<vmem>>
      %dma_start3A_26 = tpu.memref_squeeze %dma_start3A_25 : memref<1x128x64xf32, #tpu.memory_space<vmem>> -> memref<128x64xf32, #tpu.memory_space<vmem>>
      %dma_start3A_27 = arith.constant 0 : i32
      %dma_start3A_28 = tpu.memref_slice %arg9[%dma_start3A, %dma_start3A_27] : memref<160x128xi32, #tpu.memory_space<vmem>> -> memref<1x128xi32, #tpu.memory_space<vmem>>
      %dma_start3A_29 = tpu.memref_squeeze %dma_start3A_28 : memref<1x128xi32, #tpu.memory_space<vmem>> -> memref<128xi32, #tpu.memory_space<vmem>>
      %dma_start3A_30 = arith.constant 0 : i32
      %dma_start3A_31 = arith.constant 0 : i32
      %dma_start3A_32 = tpu.memref_slice %arg3[%dma_start3A_30, %dma_start3A_31] : memref<10000x64xf32, #tpu.memory_space<hbm>> -> memref<10000x64xf32, #tpu.memory_space<hbm>>
      tpu.enqueue_indirect_dma source(%dma_start3A_32 : memref<10000x64xf32, #tpu.memory_space<hbm>>) target(%dma_start3A_26 : memref<128x64xf32, #tpu.memory_space<vmem>>) offsets(%dma_start3A_29 : memref<128xi32, #tpu.memory_space<vmem>>) semaphore(%arg13 : memref<!tpu.dma_semaphore, #tpu.memory_space<semaphore_mem>>)
      %scan3A = arith.constant 0 : i32
      %scan3A_33 = arith.constant 0 : i32
      %scan3A_34 = arith.constant 80 : i32
      %scan3A_35 = arith.addi %scan3A_33, %scan3A_34 : i32
      %scan3A_36 = arith.constant 1 : i32
      scf.for %scan3A_52 = %scan3A_33 to %scan3A_35 step %scan3A_36  : i32 {
        %mul3A_53 = arith.constant 2 : i32
        %mul3A_54 = arith.muli %mul3A_53, %scan3A_52 : i32
        %add3A_55 = arith.constant 0 : i32
        %add3A_56 = arith.addi %mul3A_54, %add3A_55 : i32
        %dma_wait3A_57 = arith.constant 0 : i32
        %dma_wait3A_58 = arith.constant 0 : i32
        %dma_wait3A_59 = arith.constant 0 : i32
        %dma_wait3A_60 = arith.constant 0 : i32
        %dma_wait3A_61 = tpu.memref_slice %arg11[%dma_wait3A_58, %dma_wait3A_59, %dma_wait3A_60] : memref<2x128x64xf32, #tpu.memory_space<vmem>> -> memref<1x128x64xf32, #tpu.memory_space<vmem>>
        %dma_wait3A_62 = tpu.memref_squeeze %dma_wait3A_61 : memref<1x128x64xf32, #tpu.memory_space<vmem>> -> memref<128x64xf32, #tpu.memory_space<vmem>>
        %dma_wait3A_63 = arith.constant 0 : i32
        %dma_wait3A_64 = tpu.memref_slice %arg9[%dma_wait3A_57, %dma_wait3A_63] : memref<160x128xi32, #tpu.memory_space<vmem>> -> memref<1x128xi32, #tpu.memory_space<vmem>>
        %dma_wait3A_65 = tpu.memref_squeeze %dma_wait3A_64 : memref<1x128xi32, #tpu.memory_space<vmem>> -> memref<128xi32, #tpu.memory_space<vmem>>
        %dma_wait3A_66 = arith.constant 0 : i32
        %dma_wait3A_67 = arith.constant 0 : i32
        %dma_wait3A_68 = tpu.memref_slice %arg3[%dma_wait3A_66, %dma_wait3A_67] : memref<10000x64xf32, #tpu.memory_space<hbm>> -> memref<10000x64xf32, #tpu.memory_space<hbm>>
        tpu.wait_indirect_dma semaphore(%arg13 : memref<!tpu.dma_semaphore, #tpu.memory_space<semaphore_mem>>) src(%dma_wait3A_68 : memref<10000x64xf32, #tpu.memory_space<hbm>>) dst(%dma_wait3A_62 : memref<128x64xf32, #tpu.memory_space<vmem>>)
        %ge3A = arith.constant 1 : i32
        %ge3A_69 = arith.cmpi sge, %add3A_56, %ge3A : i32
        %convert_element_type3A_70 = arith.extui %ge3A_69 : i1 to i32
        %cond3A_71 = arith.constant 0 : i32
        %cond3A_72 = arith.cmpi ne, %convert_element_type3A_70, %cond3A_71 : i32
        scf.if %cond3A_72 {
          %dma_wait3A_125 = arith.constant 1 : i32
          %dma_wait3A_126 = arith.constant 0 : i32
          %dma_wait3A_127 = arith.constant 0 : i32
          %dma_wait3A_128 = tpu.memref_slice %arg11[%dma_wait3A_125, %dma_wait3A_126, %dma_wait3A_127] : memref<2x128x64xf32, #tpu.memory_space<vmem>> -> memref<1x128x64xf32, #tpu.memory_space<vmem>>
          %dma_wait3A_129 = tpu.memref_squeeze %dma_wait3A_128 : memref<1x128x64xf32, #tpu.memory_space<vmem>> -> memref<128x64xf32, #tpu.memory_space<vmem>>
          %dma_wait3A_130 = arith.constant 0 : i32
          %dma_wait3A_131 = arith.constant 0 : i32
          %dma_wait3A_132 = tpu.memref_slice %arg12[%dma_wait3A_130, %dma_wait3A_131] : memref<10240x64xf32, #tpu.memory_space<vmem_shared>> -> memref<128x64xf32, #tpu.memory_space<vmem_shared>>
          %dma_wait3A_133 = arith.constant 0 : i32
          %dma_wait3A_134 = arith.constant 0 : i32
          %dma_wait3A_135 = tpu.memref_slice %arg12[%dma_wait3A_133, %dma_wait3A_134] : memref<10240x64xf32, #tpu.memory_space<vmem_shared>> -> memref<128x64xf32, #tpu.memory_space<vmem_shared>>
          %dma_wait3A_136 = arith.constant 0 : i32
          %dma_wait3A_137 = arith.constant 0 : i32
          %dma_wait3A_138 = tpu.memref_slice %arg11[%dma_wait3A_125, %dma_wait3A_136, %dma_wait3A_137] : memref<2x128x64xf32, #tpu.memory_space<vmem>> -> memref<1x128x64xf32, #tpu.memory_space<vmem>>
          %dma_wait3A_139 = tpu.memref_squeeze %dma_wait3A_138 : memref<1x128x64xf32, #tpu.memory_space<vmem>> -> memref<128x64xf32, #tpu.memory_space<vmem>>
          tpu.wait_dma2 semaphore(%arg14 : memref<!tpu.dma_semaphore, #tpu.memory_space<semaphore_mem>>) src(%dma_wait3A_139 : memref<128x64xf32, #tpu.memory_space<vmem>>) dst(%dma_wait3A_135 : memref<128x64xf32, #tpu.memory_space<vmem_shared>>)
        } else {
        }
        %le3A = arith.constant 158 : i32
        %le3A_73 = arith.cmpi sle, %add3A_56, %le3A : i32
        %convert_element_type3A_74 = arith.extui %le3A_73 : i1 to i32
        %cond3A_75 = arith.constant 0 : i32
        %cond3A_76 = arith.cmpi ne, %convert_element_type3A_74, %cond3A_75 : i32
        scf.if %cond3A_76 {
          %add3A_125 = arith.constant 1 : i32
          %add3A_126 = arith.addi %add3A_56, %add3A_125 : i32
          %dma_start3A_127 = arith.constant 1 : i32
          %dma_start3A_128 = arith.constant 0 : i32
          %dma_start3A_129 = arith.constant 0 : i32
          %dma_start3A_130 = tpu.memref_slice %arg11[%dma_start3A_127, %dma_start3A_128, %dma_start3A_129] : memref<2x128x64xf32, #tpu.memory_space<vmem>> -> memref<1x128x64xf32, #tpu.memory_space<vmem>>
          %dma_start3A_131 = tpu.memref_squeeze %dma_start3A_130 : memref<1x128x64xf32, #tpu.memory_space<vmem>> -> memref<128x64xf32, #tpu.memory_space<vmem>>
          %dma_start3A_132 = arith.constant 0 : i32
          %dma_start3A_133 = tpu.memref_slice %arg9[%add3A_126, %dma_start3A_132] : memref<160x128xi32, #tpu.memory_space<vmem>> -> memref<1x128xi32, #tpu.memory_space<vmem>>
          %dma_start3A_134 = tpu.memref_squeeze %dma_start3A_133 : memref<1x128xi32, #tpu.memory_space<vmem>> -> memref<128xi32, #tpu.memory_space<vmem>>
          %dma_start3A_135 = arith.constant 0 : i32
          %dma_start3A_136 = arith.constant 0 : i32
          %dma_start3A_137 = tpu.memref_slice %arg3[%dma_start3A_135, %dma_start3A_136] : memref<10000x64xf32, #tpu.memory_space<hbm>> -> memref<10000x64xf32, #tpu.memory_space<hbm>>
          tpu.enqueue_indirect_dma source(%dma_start3A_137 : memref<10000x64xf32, #tpu.memory_space<hbm>>) target(%dma_start3A_131 : memref<128x64xf32, #tpu.memory_space<vmem>>) offsets(%dma_start3A_134 : memref<128xi32, #tpu.memory_space<vmem>>) semaphore(%arg13 : memref<!tpu.dma_semaphore, #tpu.memory_space<semaphore_mem>>)
        } else {
        }
        %dma_start3A_77 = arith.constant 0 : i32
        %dma_start3A_78 = arith.constant 0 : i32
        %dma_start3A_79 = arith.constant 0 : i32
        %dma_start3A_80 = tpu.memref_slice %arg11[%dma_start3A_77, %dma_start3A_78, %dma_start3A_79] : memref<2x128x64xf32, #tpu.memory_space<vmem>> -> memref<1x128x64xf32, #tpu.memory_space<vmem>>
        %dma_start3A_81 = tpu.memref_squeeze %dma_start3A_80 : memref<1x128x64xf32, #tpu.memory_space<vmem>> -> memref<128x64xf32, #tpu.memory_space<vmem>>
        %dma_start3A_82 = arith.constant 0 : i32
        %dma_start3A_83 = tpu.memref_slice %arg10[%add3A_56, %dma_start3A_82] : memref<160x128xi32, #tpu.memory_space<vmem>> -> memref<1x128xi32, #tpu.memory_space<vmem>>
        %dma_start3A_84 = tpu.memref_squeeze %dma_start3A_83 : memref<1x128xi32, #tpu.memory_space<vmem>> -> memref<128xi32, #tpu.memory_space<vmem>>
        %dma_start3A_85 = arith.constant 0 : i32
        %dma_start3A_86 = arith.constant 0 : i32
        %dma_start3A_87 = tpu.memref_slice %arg12[%dma_start3A_85, %dma_start3A_86] : memref<10240x64xf32, #tpu.memory_space<vmem_shared>> -> memref<10240x64xf32, #tpu.memory_space<vmem_shared>>
        tpu.enqueue_indirect_dma source(%dma_start3A_81 : memref<128x64xf32, #tpu.memory_space<vmem>>) target(%dma_start3A_87 : memref<10240x64xf32, #tpu.memory_space<vmem_shared>>) offsets(%dma_start3A_84 : memref<128xi32, #tpu.memory_space<vmem>>) semaphore(%arg14 : memref<!tpu.dma_semaphore, #tpu.memory_space<semaphore_mem>>) {add = true}
        %mul3A_88 = arith.constant 2 : i32
        %mul3A_89 = arith.muli %mul3A_88, %scan3A_52 : i32
        %add3A_90 = arith.constant 1 : i32
        %add3A_91 = arith.addi %mul3A_89, %add3A_90 : i32
        %dma_wait3A_92 = arith.constant 0 : i32
        %dma_wait3A_93 = arith.constant 1 : i32
        %dma_wait3A_94 = arith.constant 0 : i32
        %dma_wait3A_95 = arith.constant 0 : i32
        %dma_wait3A_96 = tpu.memref_slice %arg11[%dma_wait3A_93, %dma_wait3A_94, %dma_wait3A_95] : memref<2x128x64xf32, #tpu.memory_space<vmem>> -> memref<1x128x64xf32, #tpu.memory_space<vmem>>
        %dma_wait3A_97 = tpu.memref_squeeze %dma_wait3A_96 : memref<1x128x64xf32, #tpu.memory_space<vmem>> -> memref<128x64xf32, #tpu.memory_space<vmem>>
        %dma_wait3A_98 = arith.constant 0 : i32
        %dma_wait3A_99 = tpu.memref_slice %arg9[%dma_wait3A_92, %dma_wait3A_98] : memref<160x128xi32, #tpu.memory_space<vmem>> -> memref<1x128xi32, #tpu.memory_space<vmem>>
        %dma_wait3A_100 = tpu.memref_squeeze %dma_wait3A_99 : memref<1x128xi32, #tpu.memory_space<vmem>> -> memref<128xi32, #tpu.memory_space<vmem>>
        %dma_wait3A_101 = arith.constant 0 : i32
        %dma_wait3A_102 = arith.constant 0 : i32
        %dma_wait3A_103 = tpu.memref_slice %arg3[%dma_wait3A_101, %dma_wait3A_102] : memref<10000x64xf32, #tpu.memory_space<hbm>> -> memref<10000x64xf32, #tpu.memory_space<hbm>>
        tpu.wait_indirect_dma semaphore(%arg13 : memref<!tpu.dma_semaphore, #tpu.memory_space<semaphore_mem>>) src(%dma_wait3A_103 : memref<10000x64xf32, #tpu.memory_space<hbm>>) dst(%dma_wait3A_97 : memref<128x64xf32, #tpu.memory_space<vmem>>)
        %ge3A_104 = arith.constant 1 : i32
        %ge3A_105 = arith.cmpi sge, %add3A_91, %ge3A_104 : i32
        %convert_element_type3A_106 = arith.extui %ge3A_105 : i1 to i32
        %cond3A_107 = arith.constant 0 : i32
        %cond3A_108 = arith.cmpi ne, %convert_element_type3A_106, %cond3A_107 : i32
        scf.if %cond3A_108 {
          %dma_wait3A_125 = arith.constant 0 : i32
          %dma_wait3A_126 = arith.constant 0 : i32
          %dma_wait3A_127 = arith.constant 0 : i32
          %dma_wait3A_128 = tpu.memref_slice %arg11[%dma_wait3A_125, %dma_wait3A_126, %dma_wait3A_127] : memref<2x128x64xf32, #tpu.memory_space<vmem>> -> memref<1x128x64xf32, #tpu.memory_space<vmem>>
          %dma_wait3A_129 = tpu.memref_squeeze %dma_wait3A_128 : memref<1x128x64xf32, #tpu.memory_space<vmem>> -> memref<128x64xf32, #tpu.memory_space<vmem>>
          %dma_wait3A_130 = arith.constant 0 : i32
          %dma_wait3A_131 = arith.constant 0 : i32
          %dma_wait3A_132 = tpu.memref_slice %arg12[%dma_wait3A_130, %dma_wait3A_131] : memref<10240x64xf32, #tpu.memory_space<vmem_shared>> -> memref<128x64xf32, #tpu.memory_space<vmem_shared>>
          %dma_wait3A_133 = arith.constant 0 : i32
          %dma_wait3A_134 = arith.constant 0 : i32
          %dma_wait3A_135 = tpu.memref_slice %arg12[%dma_wait3A_133, %dma_wait3A_134] : memref<10240x64xf32, #tpu.memory_space<vmem_shared>> -> memref<128x64xf32, #tpu.memory_space<vmem_shared>>
          %dma_wait3A_136 = arith.constant 0 : i32
          %dma_wait3A_137 = arith.constant 0 : i32
          %dma_wait3A_138 = tpu.memref_slice %arg11[%dma_wait3A_125, %dma_wait3A_136, %dma_wait3A_137] : memref<2x128x64xf32, #tpu.memory_space<vmem>> -> memref<1x128x64xf32, #tpu.memory_space<vmem>>
          %dma_wait3A_139 = tpu.memref_squeeze %dma_wait3A_138 : memref<1x128x64xf32, #tpu.memory_space<vmem>> -> memref<128x64xf32, #tpu.memory_space<vmem>>
          tpu.wait_dma2 semaphore(%arg14 : memref<!tpu.dma_semaphore, #tpu.memory_space<semaphore_mem>>) src(%dma_wait3A_139 : memref<128x64xf32, #tpu.memory_space<vmem>>) dst(%dma_wait3A_135 : memref<128x64xf32, #tpu.memory_space<vmem_shared>>)
        } else {
        }
        %le3A_109 = arith.constant 158 : i32
        %le3A_110 = arith.cmpi sle, %add3A_91, %le3A_109 : i32
        %convert_element_type3A_111 = arith.extui %le3A_110 : i1 to i32
        %cond3A_112 = arith.constant 0 : i32
        %cond3A_113 = arith.cmpi ne, %convert_element_type3A_111, %cond3A_112 : i32
        scf.if %cond3A_113 {
          %add3A_125 = arith.constant 1 : i32
          %add3A_126 = arith.addi %add3A_91, %add3A_125 : i32
          %dma_start3A_127 = arith.constant 0 : i32
          %dma_start3A_128 = arith.constant 0 : i32
          %dma_start3A_129 = arith.constant 0 : i32
          %dma_start3A_130 = tpu.memref_slice %arg11[%dma_start3A_127, %dma_start3A_128, %dma_start3A_129] : memref<2x128x64xf32, #tpu.memory_space<vmem>> -> memref<1x128x64xf32, #tpu.memory_space<vmem>>
          %dma_start3A_131 = tpu.memref_squeeze %dma_start3A_130 : memref<1x128x64xf32, #tpu.memory_space<vmem>> -> memref<128x64xf32, #tpu.memory_space<vmem>>
          %dma_start3A_132 = arith.constant 0 : i32
          %dma_start3A_133 = tpu.memref_slice %arg9[%add3A_126, %dma_start3A_132] : memref<160x128xi32, #tpu.memory_space<vmem>> -> memref<1x128xi32, #tpu.memory_space<vmem>>
          %dma_start3A_134 = tpu.memref_squeeze %dma_start3A_133 : memref<1x128xi32, #tpu.memory_space<vmem>> -> memref<128xi32, #tpu.memory_space<vmem>>
          %dma_start3A_135 = arith.constant 0 : i32
          %dma_start3A_136 = arith.constant 0 : i32
          %dma_start3A_137 = tpu.memref_slice %arg3[%dma_start3A_135, %dma_start3A_136] : memref<10000x64xf32, #tpu.memory_space<hbm>> -> memref<10000x64xf32, #tpu.memory_space<hbm>>
          tpu.enqueue_indirect_dma source(%dma_start3A_137 : memref<10000x64xf32, #tpu.memory_space<hbm>>) target(%dma_start3A_131 : memref<128x64xf32, #tpu.memory_space<vmem>>) offsets(%dma_start3A_134 : memref<128xi32, #tpu.memory_space<vmem>>) semaphore(%arg13 : memref<!tpu.dma_semaphore, #tpu.memory_space<semaphore_mem>>)
        } else {
        }
        %dma_start3A_114 = arith.constant 1 : i32
        %dma_start3A_115 = arith.constant 0 : i32
        %dma_start3A_116 = arith.constant 0 : i32
        %dma_start3A_117 = tpu.memref_slice %arg11[%dma_start3A_114, %dma_start3A_115, %dma_start3A_116] : memref<2x128x64xf32, #tpu.memory_space<vmem>> -> memref<1x128x64xf32, #tpu.memory_space<vmem>>
        %dma_start3A_118 = tpu.memref_squeeze %dma_start3A_117 : memref<1x128x64xf32, #tpu.memory_space<vmem>> -> memref<128x64xf32, #tpu.memory_space<vmem>>
        %dma_start3A_119 = arith.constant 0 : i32
        %dma_start3A_120 = tpu.memref_slice %arg10[%add3A_91, %dma_start3A_119] : memref<160x128xi32, #tpu.memory_space<vmem>> -> memref<1x128xi32, #tpu.memory_space<vmem>>
        %dma_start3A_121 = tpu.memref_squeeze %dma_start3A_120 : memref<1x128xi32, #tpu.memory_space<vmem>> -> memref<128xi32, #tpu.memory_space<vmem>>
        %dma_start3A_122 = arith.constant 0 : i32
        %dma_start3A_123 = arith.constant 0 : i32
        %dma_start3A_124 = tpu.memref_slice %arg12[%dma_start3A_122, %dma_start3A_123] : memref<10240x64xf32, #tpu.memory_space<vmem_shared>> -> memref<10240x64xf32, #tpu.memory_space<vmem_shared>>
        tpu.enqueue_indirect_dma source(%dma_start3A_118 : memref<128x64xf32, #tpu.memory_space<vmem>>) target(%dma_start3A_124 : memref<10240x64xf32, #tpu.memory_space<vmem_shared>>) offsets(%dma_start3A_121 : memref<128xi32, #tpu.memory_space<vmem>>) semaphore(%arg14 : memref<!tpu.dma_semaphore, #tpu.memory_space<semaphore_mem>>) {add = true}
      }
      %scan3A_37 = arith.constant 80 : i32
      %dma_wait3A = arith.constant 1 : i32
      %dma_wait3A_38 = arith.constant 0 : i32
      %dma_wait3A_39 = arith.constant 0 : i32
      %dma_wait3A_40 = tpu.memref_slice %arg11[%dma_wait3A, %dma_wait3A_38, %dma_wait3A_39] : memref<2x128x64xf32, #tpu.memory_space<vmem>> -> memref<1x128x64xf32, #tpu.memory_space<vmem>>
      %dma_wait3A_41 = tpu.memref_squeeze %dma_wait3A_40 : memref<1x128x64xf32, #tpu.memory_space<vmem>> -> memref<128x64xf32, #tpu.memory_space<vmem>>
      %dma_wait3A_42 = arith.constant 0 : i32
      %dma_wait3A_43 = arith.constant 0 : i32
      %dma_wait3A_44 = tpu.memref_slice %arg12[%dma_wait3A_42, %dma_wait3A_43] : memref<10240x64xf32, #tpu.memory_space<vmem_shared>> -> memref<128x64xf32, #tpu.memory_space<vmem_shared>>
      %dma_wait3A_45 = arith.constant 0 : i32
      %dma_wait3A_46 = arith.constant 0 : i32
      %dma_wait3A_47 = tpu.memref_slice %arg12[%dma_wait3A_45, %dma_wait3A_46] : memref<10240x64xf32, #tpu.memory_space<vmem_shared>> -> memref<128x64xf32, #tpu.memory_space<vmem_shared>>
      %dma_wait3A_48 = arith.constant 0 : i32
      %dma_wait3A_49 = arith.constant 0 : i32
      %dma_wait3A_50 = tpu.memref_slice %arg11[%dma_wait3A, %dma_wait3A_48, %dma_wait3A_49] : memref<2x128x64xf32, #tpu.memory_space<vmem>> -> memref<1x128x64xf32, #tpu.memory_space<vmem>>
      %dma_wait3A_51 = tpu.memref_squeeze %dma_wait3A_50 : memref<1x128x64xf32, #tpu.memory_space<vmem>> -> memref<128x64xf32, #tpu.memory_space<vmem>>
      tpu.wait_dma2 semaphore(%arg14 : memref<!tpu.dma_semaphore, #tpu.memory_space<semaphore_mem>>) src(%dma_wait3A_51 : memref<128x64xf32, #tpu.memory_space<vmem>>) dst(%dma_wait3A_47 : memref<128x64xf32, #tpu.memory_space<vmem_shared>>)
    } else {
    }
    %barrier3A_11 = arith.constant 0 : index
    tpu.barrier barrier_id(%barrier3A_11)
    %eq3A_12 = arith.constant 0 : i32
    %eq3A_13 = arith.cmpi eq, %arg0, %eq3A_12 : i32
    %convert_element_type3A_14 = arith.extui %eq3A_13 : i1 to i32
    %cond3A_15 = arith.constant 0 : i32
    %cond3A_16 = arith.cmpi ne, %convert_element_type3A_14, %cond3A_15 : i32
    scf.if %cond3A_16 {
      "tpu.region"() ({
        %run_scoped3A = tpu.sem_alloc : memref<!tpu.dma_semaphore, #tpu.memory_space<semaphore_mem>>
        %dma_start3A = arith.constant 0 : i32
        %dma_start3A_22 = tpu.memref_slice %arg7[%mul3A_0, %dma_start3A] : memref<10240x64xf32, #tpu.memory_space<hbm>> -> memref<640x64xf32, #tpu.memory_space<hbm>>
        %dma_start3A_23 = arith.constant 0 : i32
        %dma_start3A_24 = tpu.memref_slice %arg12[%mul3A_0, %dma_start3A_23] : memref<10240x64xf32, #tpu.memory_space<vmem_shared>> -> memref<640x64xf32, #tpu.memory_space<vmem_shared>>
        tpu.enqueue_dma source(%dma_start3A_24 : memref<640x64xf32, #tpu.memory_space<vmem_shared>>) target(%dma_start3A_22 : memref<640x64xf32, #tpu.memory_space<hbm>>) target_semaphore(%run_scoped3A : memref<!tpu.dma_semaphore, #tpu.memory_space<semaphore_mem>>)
        %dma_wait3A = arith.constant 0 : i32
        %dma_wait3A_25 = tpu.memref_slice %arg7[%mul3A_0, %dma_wait3A] : memref<10240x64xf32, #tpu.memory_space<hbm>> -> memref<640x64xf32, #tpu.memory_space<hbm>>
        %dma_wait3A_26 = arith.constant 0 : i32
        %dma_wait3A_27 = tpu.memref_slice %arg12[%mul3A_0, %dma_wait3A_26] : memref<10240x64xf32, #tpu.memory_space<vmem_shared>> -> memref<640x64xf32, #tpu.memory_space<vmem_shared>>
        tpu.wait_dma2 semaphore(%run_scoped3A : memref<!tpu.dma_semaphore, #tpu.memory_space<semaphore_mem>>) src(%dma_wait3A_27 : memref<640x64xf32, #tpu.memory_space<vmem_shared>>) dst(%dma_wait3A_25 : memref<640x64xf32, #tpu.memory_space<hbm>>)
        tpu.yield
      }) : () -> ()
    } else {
    }
    %eq3A_17 = arith.constant 1 : i32
    %eq3A_18 = arith.cmpi eq, %arg0, %eq3A_17 : i32
    %convert_element_type3A_19 = arith.extui %eq3A_18 : i1 to i32
    %cond3A_20 = arith.constant 0 : i32
    %cond3A_21 = arith.cmpi ne, %convert_element_type3A_19, %cond3A_20 : i32
    scf.if %cond3A_21 {
      "tpu.region"() ({
        %run_scoped3A = tpu.sem_alloc : memref<!tpu.dma_semaphore, #tpu.memory_space<semaphore_mem>>
        %dma_start3A = arith.constant 0 : i32
        %dma_start3A_22 = tpu.memref_slice %arg8[%mul3A_0, %dma_start3A] : memref<10240x64xf32, #tpu.memory_space<hbm>> -> memref<640x64xf32, #tpu.memory_space<hbm>>
        %dma_start3A_23 = arith.constant 0 : i32
        %dma_start3A_24 = tpu.memref_slice %arg12[%mul3A_0, %dma_start3A_23] : memref<10240x64xf32, #tpu.memory_space<vmem_shared>> -> memref<640x64xf32, #tpu.memory_space<vmem_shared>>
        tpu.enqueue_dma source(%dma_start3A_24 : memref<640x64xf32, #tpu.memory_space<vmem_shared>>) target(%dma_start3A_22 : memref<640x64xf32, #tpu.memory_space<hbm>>) target_semaphore(%run_scoped3A : memref<!tpu.dma_semaphore, #tpu.memory_space<semaphore_mem>>)
        %dma_wait3A = arith.constant 0 : i32
        %dma_wait3A_25 = tpu.memref_slice %arg8[%mul3A_0, %dma_wait3A] : memref<10240x64xf32, #tpu.memory_space<hbm>> -> memref<640x64xf32, #tpu.memory_space<hbm>>
        %dma_wait3A_26 = arith.constant 0 : i32
        %dma_wait3A_27 = tpu.memref_slice %arg12[%mul3A_0, %dma_wait3A_26] : memref<10240x64xf32, #tpu.memory_space<vmem_shared>> -> memref<640x64xf32, #tpu.memory_space<vmem_shared>>
        tpu.wait_dma2 semaphore(%run_scoped3A : memref<!tpu.dma_semaphore, #tpu.memory_space<semaphore_mem>>) src(%dma_wait3A_27 : memref<640x64xf32, #tpu.memory_space<vmem_shared>>) dst(%dma_wait3A_25 : memref<640x64xf32, #tpu.memory_space<hbm>>)
        tpu.yield
      }) : () -> ()
    } else {
    }
    return
  }
}

#map = affine_map<(d0, d1) -> (0, 0)>
#map1 = affine_map<(d0, d1) -> (0, 0, 0)>
module attributes {stable_mosaic.version = 14 : i64} {
  func.func @body(%arg0: i32, %arg1: i32, %arg2: memref<10000x64xf32, #tpu.memory_space<hbm>>, %arg3: memref<10000x64xf32, #tpu.memory_space<hbm>>, %arg4: memref<16x160x128xi32, #tpu.memory_space<hbm>>, %arg5: memref<16x160x128xi32, #tpu.memory_space<hbm>>, %arg6: memref<10240x64xf32, #tpu.memory_space<hbm>>, %arg7: memref<10240x16xf32, #tpu.memory_space<hbm>>, %arg8: memref<128x16xf32, #tpu.memory_space<hbm>>, %arg9: memref<10240x64xf32, #tpu.memory_space<hbm>>, %arg10: memref<10240x64xf32, #tpu.memory_space<hbm>>, %arg11: memref<2x10240x16xf32, #tpu.memory_space<hbm>>, %arg12: memref<160x128xi32, #tpu.memory_space<vmem>>, %arg13: memref<160x128xi32, #tpu.memory_space<vmem>>, %arg14: memref<2x128x64xf32, #tpu.memory_space<vmem>>, %arg15: memref<10240x64xf32, #tpu.memory_space<vmem_shared>>, %arg16: memref<!tpu.dma_semaphore, #tpu.memory_space<semaphore_mem>>, %arg17: memref<!tpu.dma_semaphore, #tpu.memory_space<semaphore_mem>>, %arg18: memref<128x16xf32, #tpu.memory_space<vmem>>, %arg19: memref<10240x16xf32, #tpu.memory_space<vmem_shared>>, %arg20: memref<!tpu.dma_semaphore, #tpu.memory_space<semaphore_mem>>) attributes {dimension_semantics = [#tpu.dimension_semantics<core_parallel>, #tpu.dimension_semantics<subcore_parallel>], iteration_bounds = array<i64: 2, 16>, scalar_prefetch = 0 : i64, scratch_operands = 9 : i64, tpu.core_type = #tpu.core_type<sc_vector_subcore>, window_params = [{transform_indices = #map}, {transform_indices = #map}, {transform_indices = #map1}, {transform_indices = #map1}, {transform_indices = #map}, {transform_indices = #map}, {transform_indices = #map}, {transform_indices = #map}, {transform_indices = #map}, {transform_indices = #map1}]} {
    %mul3A = arith.constant 640 : i32
    %mul3A_0 = arith.muli %arg1, %mul3A : i32
    "tpu.region"() ({
      %run_scoped3A = tpu.sem_alloc : memref<!tpu.dma_semaphore, #tpu.memory_space<semaphore_mem>>
      %dma_start3A = arith.constant 0 : i32
      %dma_start3A_22 = tpu.memref_slice %arg15[%mul3A_0, %dma_start3A] : memref<10240x64xf32, #tpu.memory_space<vmem_shared>> -> memref<640x64xf32, #tpu.memory_space<vmem_shared>>
      %dma_start3A_23 = arith.constant 0 : i32
      %dma_start3A_24 = tpu.memref_slice %arg6[%mul3A_0, %dma_start3A_23] : memref<10240x64xf32, #tpu.memory_space<hbm>> -> memref<640x64xf32, #tpu.memory_space<hbm>>
      tpu.enqueue_dma source(%dma_start3A_24 : memref<640x64xf32, #tpu.memory_space<hbm>>) target(%dma_start3A_22 : memref<640x64xf32, #tpu.memory_space<vmem_shared>>) target_semaphore(%run_scoped3A : memref<!tpu.dma_semaphore, #tpu.memory_space<semaphore_mem>>)
      %dma_wait3A = arith.constant 0 : i32
      %dma_wait3A_25 = tpu.memref_slice %arg15[%mul3A_0, %dma_wait3A] : memref<10240x64xf32, #tpu.memory_space<vmem_shared>> -> memref<640x64xf32, #tpu.memory_space<vmem_shared>>
      %dma_wait3A_26 = arith.constant 0 : i32
      %dma_wait3A_27 = tpu.memref_slice %arg6[%mul3A_0, %dma_wait3A_26] : memref<10240x64xf32, #tpu.memory_space<hbm>> -> memref<640x64xf32, #tpu.memory_space<hbm>>
      tpu.wait_dma2 semaphore(%run_scoped3A : memref<!tpu.dma_semaphore, #tpu.memory_space<semaphore_mem>>) src(%dma_wait3A_27 : memref<640x64xf32, #tpu.memory_space<hbm>>) dst(%dma_wait3A_25 : memref<640x64xf32, #tpu.memory_space<vmem_shared>>)
      tpu.yield
    }) : () -> ()
    "tpu.region"() ({
      %run_scoped3A = tpu.sem_alloc : memref<!tpu.dma_semaphore, #tpu.memory_space<semaphore_mem>>
      %dma_start3A = arith.constant 0 : i32
      %dma_start3A_22 = tpu.memref_slice %arg19[%mul3A_0, %dma_start3A] : memref<10240x16xf32, #tpu.memory_space<vmem_shared>> -> memref<640x16xf32, #tpu.memory_space<vmem_shared>>
      %dma_start3A_23 = arith.constant 0 : i32
      %dma_start3A_24 = tpu.memref_slice %arg7[%mul3A_0, %dma_start3A_23] : memref<10240x16xf32, #tpu.memory_space<hbm>> -> memref<640x16xf32, #tpu.memory_space<hbm>>
      tpu.enqueue_dma source(%dma_start3A_24 : memref<640x16xf32, #tpu.memory_space<hbm>>) target(%dma_start3A_22 : memref<640x16xf32, #tpu.memory_space<vmem_shared>>) target_semaphore(%run_scoped3A : memref<!tpu.dma_semaphore, #tpu.memory_space<semaphore_mem>>)
      %dma_wait3A = arith.constant 0 : i32
      %dma_wait3A_25 = tpu.memref_slice %arg19[%mul3A_0, %dma_wait3A] : memref<10240x16xf32, #tpu.memory_space<vmem_shared>> -> memref<640x16xf32, #tpu.memory_space<vmem_shared>>
      %dma_wait3A_26 = arith.constant 0 : i32
      %dma_wait3A_27 = tpu.memref_slice %arg7[%mul3A_0, %dma_wait3A_26] : memref<10240x16xf32, #tpu.memory_space<hbm>> -> memref<640x16xf32, #tpu.memory_space<hbm>>
      tpu.wait_dma2 semaphore(%run_scoped3A : memref<!tpu.dma_semaphore, #tpu.memory_space<semaphore_mem>>) src(%dma_wait3A_27 : memref<640x16xf32, #tpu.memory_space<hbm>>) dst(%dma_wait3A_25 : memref<640x16xf32, #tpu.memory_space<vmem_shared>>)
      tpu.yield
    }) : () -> ()
    "tpu.region"() ({
      %run_scoped3A = tpu.sem_alloc : memref<!tpu.dma_semaphore, #tpu.memory_space<semaphore_mem>>
      tpu.enqueue_dma source(%arg8 : memref<128x16xf32, #tpu.memory_space<hbm>>) target(%arg18 : memref<128x16xf32, #tpu.memory_space<vmem>>) target_semaphore(%run_scoped3A : memref<!tpu.dma_semaphore, #tpu.memory_space<semaphore_mem>>)
      tpu.wait_dma2 semaphore(%run_scoped3A : memref<!tpu.dma_semaphore, #tpu.memory_space<semaphore_mem>>) src(%arg8 : memref<128x16xf32, #tpu.memory_space<hbm>>) dst(%arg18 : memref<128x16xf32, #tpu.memory_space<vmem>>)
      tpu.yield
    }) : () -> ()
    "tpu.region"() ({
      %run_scoped3A = tpu.sem_alloc : memref<!tpu.dma_semaphore, #tpu.memory_space<semaphore_mem>>
      %dma_start3A = arith.constant 0 : i32
      %dma_start3A_22 = arith.constant 0 : i32
      %dma_start3A_23 = tpu.memref_slice %arg4[%arg1, %dma_start3A, %dma_start3A_22] : memref<16x160x128xi32, #tpu.memory_space<hbm>> -> memref<1x160x128xi32, #tpu.memory_space<hbm>>
      %dma_start3A_24 = tpu.memref_squeeze %dma_start3A_23 : memref<1x160x128xi32, #tpu.memory_space<hbm>> -> memref<160x128xi32, #tpu.memory_space<hbm>>
      %dma_start3A_25 = arith.constant 0 : i32
      %dma_start3A_26 = arith.constant 0 : i32
      %dma_start3A_27 = tpu.memref_slice %arg4[%arg1, %dma_start3A_25, %dma_start3A_26] : memref<16x160x128xi32, #tpu.memory_space<hbm>> -> memref<1x160x128xi32, #tpu.memory_space<hbm>>
      %dma_start3A_28 = tpu.memref_squeeze %dma_start3A_27 : memref<1x160x128xi32, #tpu.memory_space<hbm>> -> memref<160x128xi32, #tpu.memory_space<hbm>>
      tpu.enqueue_dma source(%dma_start3A_28 : memref<160x128xi32, #tpu.memory_space<hbm>>) target(%arg12 : memref<160x128xi32, #tpu.memory_space<vmem>>) target_semaphore(%run_scoped3A : memref<!tpu.dma_semaphore, #tpu.memory_space<semaphore_mem>>)
      %dma_wait3A = arith.constant 0 : i32
      %dma_wait3A_29 = arith.constant 0 : i32
      %dma_wait3A_30 = tpu.memref_slice %arg4[%arg1, %dma_wait3A, %dma_wait3A_29] : memref<16x160x128xi32, #tpu.memory_space<hbm>> -> memref<1x160x128xi32, #tpu.memory_space<hbm>>
      %dma_wait3A_31 = tpu.memref_squeeze %dma_wait3A_30 : memref<1x160x128xi32, #tpu.memory_space<hbm>> -> memref<160x128xi32, #tpu.memory_space<hbm>>
      %dma_wait3A_32 = arith.constant 0 : i32
      %dma_wait3A_33 = arith.constant 0 : i32
      %dma_wait3A_34 = tpu.memref_slice %arg4[%arg1, %dma_wait3A_32, %dma_wait3A_33] : memref<16x160x128xi32, #tpu.memory_space<hbm>> -> memref<1x160x128xi32, #tpu.memory_space<hbm>>
      %dma_wait3A_35 = tpu.memref_squeeze %dma_wait3A_34 : memref<1x160x128xi32, #tpu.memory_space<hbm>> -> memref<160x128xi32, #tpu.memory_space<hbm>>
      tpu.wait_dma2 semaphore(%run_scoped3A : memref<!tpu.dma_semaphore, #tpu.memory_space<semaphore_mem>>) src(%dma_wait3A_35 : memref<160x128xi32, #tpu.memory_space<hbm>>) dst(%arg12 : memref<160x128xi32, #tpu.memory_space<vmem>>)
      tpu.yield
    }) : () -> ()
    "tpu.region"() ({
      %run_scoped3A = tpu.sem_alloc : memref<!tpu.dma_semaphore, #tpu.memory_space<semaphore_mem>>
      %dma_start3A = arith.constant 0 : i32
      %dma_start3A_22 = arith.constant 0 : i32
      %dma_start3A_23 = tpu.memref_slice %arg5[%arg1, %dma_start3A, %dma_start3A_22] : memref<16x160x128xi32, #tpu.memory_space<hbm>> -> memref<1x160x128xi32, #tpu.memory_space<hbm>>
      %dma_start3A_24 = tpu.memref_squeeze %dma_start3A_23 : memref<1x160x128xi32, #tpu.memory_space<hbm>> -> memref<160x128xi32, #tpu.memory_space<hbm>>
      %dma_start3A_25 = arith.constant 0 : i32
      %dma_start3A_26 = arith.constant 0 : i32
      %dma_start3A_27 = tpu.memref_slice %arg5[%arg1, %dma_start3A_25, %dma_start3A_26] : memref<16x160x128xi32, #tpu.memory_space<hbm>> -> memref<1x160x128xi32, #tpu.memory_space<hbm>>
      %dma_start3A_28 = tpu.memref_squeeze %dma_start3A_27 : memref<1x160x128xi32, #tpu.memory_space<hbm>> -> memref<160x128xi32, #tpu.memory_space<hbm>>
      tpu.enqueue_dma source(%dma_start3A_28 : memref<160x128xi32, #tpu.memory_space<hbm>>) target(%arg13 : memref<160x128xi32, #tpu.memory_space<vmem>>) target_semaphore(%run_scoped3A : memref<!tpu.dma_semaphore, #tpu.memory_space<semaphore_mem>>)
      %dma_wait3A = arith.constant 0 : i32
      %dma_wait3A_29 = arith.constant 0 : i32
      %dma_wait3A_30 = tpu.memref_slice %arg5[%arg1, %dma_wait3A, %dma_wait3A_29] : memref<16x160x128xi32, #tpu.memory_space<hbm>> -> memref<1x160x128xi32, #tpu.memory_space<hbm>>
      %dma_wait3A_31 = tpu.memref_squeeze %dma_wait3A_30 : memref<1x160x128xi32, #tpu.memory_space<hbm>> -> memref<160x128xi32, #tpu.memory_space<hbm>>
      %dma_wait3A_32 = arith.constant 0 : i32
      %dma_wait3A_33 = arith.constant 0 : i32
      %dma_wait3A_34 = tpu.memref_slice %arg5[%arg1, %dma_wait3A_32, %dma_wait3A_33] : memref<16x160x128xi32, #tpu.memory_space<hbm>> -> memref<1x160x128xi32, #tpu.memory_space<hbm>>
      %dma_wait3A_35 = tpu.memref_squeeze %dma_wait3A_34 : memref<1x160x128xi32, #tpu.memory_space<hbm>> -> memref<160x128xi32, #tpu.memory_space<hbm>>
      tpu.wait_dma2 semaphore(%run_scoped3A : memref<!tpu.dma_semaphore, #tpu.memory_space<semaphore_mem>>) src(%dma_wait3A_35 : memref<160x128xi32, #tpu.memory_space<hbm>>) dst(%arg13 : memref<160x128xi32, #tpu.memory_space<vmem>>)
      tpu.yield
    }) : () -> ()
    %barrier3A = arith.constant 0 : index
    tpu.barrier barrier_id(%barrier3A)
    %mul3A_1 = arith.constant 80 : i32
    %mul3A_2 = arith.muli %arg0, %mul3A_1 : i32
    %add3A = arith.constant 80 : i32
    %add3A_3 = arith.addi %mul3A_2, %add3A : i32
    %eq3A = arith.constant 0 : i32
    %eq3A_4 = arith.cmpi eq, %arg0, %eq3A : i32
    %convert_element_type3A = arith.extui %eq3A_4 : i1 to i32
    %cond3A = arith.constant 0 : i32
    %cond3A_5 = arith.cmpi ne, %convert_element_type3A, %cond3A : i32
    scf.if %cond3A_5 {
      %dma_start3A = arith.constant 0 : i32
      %dma_start3A_22 = arith.constant 0 : i32
      %dma_start3A_23 = arith.constant 0 : i32
      %dma_start3A_24 = arith.constant 0 : i32
      %dma_start3A_25 = tpu.memref_slice %arg14[%dma_start3A_22, %dma_start3A_23, %dma_start3A_24] : memref<2x128x64xf32, #tpu.memory_space<vmem>> -> memref<1x128x64xf32, #tpu.memory_space<vmem>>
      %dma_start3A_26 = tpu.memref_squeeze %dma_start3A_25 : memref<1x128x64xf32, #tpu.memory_space<vmem>> -> memref<128x64xf32, #tpu.memory_space<vmem>>
      %dma_start3A_27 = arith.constant 0 : i32
      %dma_start3A_28 = tpu.memref_slice %arg12[%dma_start3A, %dma_start3A_27] : memref<160x128xi32, #tpu.memory_space<vmem>> -> memref<1x128xi32, #tpu.memory_space<vmem>>
      %dma_start3A_29 = tpu.memref_squeeze %dma_start3A_28 : memref<1x128xi32, #tpu.memory_space<vmem>> -> memref<128xi32, #tpu.memory_space<vmem>>
      %dma_start3A_30 = arith.constant 0 : i32
      %dma_start3A_31 = arith.constant 0 : i32
      %dma_start3A_32 = tpu.memref_slice %arg2[%dma_start3A_30, %dma_start3A_31] : memref<10000x64xf32, #tpu.memory_space<hbm>> -> memref<10000x64xf32, #tpu.memory_space<hbm>>
      tpu.enqueue_indirect_dma source(%dma_start3A_32 : memref<10000x64xf32, #tpu.memory_space<hbm>>) target(%dma_start3A_26 : memref<128x64xf32, #tpu.memory_space<vmem>>) offsets(%dma_start3A_29 : memref<128xi32, #tpu.memory_space<vmem>>) semaphore(%arg16 : memref<!tpu.dma_semaphore, #tpu.memory_space<semaphore_mem>>)
      %scan3A = arith.constant 0 : i32
      %scan3A_33 = arith.constant 0 : i32
      %scan3A_34 = arith.constant 80 : i32
      %scan3A_35 = arith.addi %scan3A_33, %scan3A_34 : i32
      %scan3A_36 = arith.constant 1 : i32
      scf.for %scan3A_58 = %scan3A_33 to %scan3A_35 step %scan3A_36  : i32 {
        %mul3A_59 = arith.constant 2 : i32
        %mul3A_60 = arith.muli %mul3A_59, %scan3A_58 : i32
        %add3A_61 = arith.constant 0 : i32
        %add3A_62 = arith.addi %mul3A_60, %add3A_61 : i32
        %dma_wait3A_63 = arith.constant 0 : i32
        %dma_wait3A_64 = arith.constant 0 : i32
        %dma_wait3A_65 = arith.constant 0 : i32
        %dma_wait3A_66 = arith.constant 0 : i32
        %dma_wait3A_67 = tpu.memref_slice %arg14[%dma_wait3A_64, %dma_wait3A_65, %dma_wait3A_66] : memref<2x128x64xf32, #tpu.memory_space<vmem>> -> memref<1x128x64xf32, #tpu.memory_space<vmem>>
        %dma_wait3A_68 = tpu.memref_squeeze %dma_wait3A_67 : memref<1x128x64xf32, #tpu.memory_space<vmem>> -> memref<128x64xf32, #tpu.memory_space<vmem>>
        %dma_wait3A_69 = arith.constant 0 : i32
        %dma_wait3A_70 = tpu.memref_slice %arg12[%dma_wait3A_63, %dma_wait3A_69] : memref<160x128xi32, #tpu.memory_space<vmem>> -> memref<1x128xi32, #tpu.memory_space<vmem>>
        %dma_wait3A_71 = tpu.memref_squeeze %dma_wait3A_70 : memref<1x128xi32, #tpu.memory_space<vmem>> -> memref<128xi32, #tpu.memory_space<vmem>>
        %dma_wait3A_72 = arith.constant 0 : i32
        %dma_wait3A_73 = arith.constant 0 : i32
        %dma_wait3A_74 = tpu.memref_slice %arg2[%dma_wait3A_72, %dma_wait3A_73] : memref<10000x64xf32, #tpu.memory_space<hbm>> -> memref<10000x64xf32, #tpu.memory_space<hbm>>
        tpu.wait_indirect_dma semaphore(%arg16 : memref<!tpu.dma_semaphore, #tpu.memory_space<semaphore_mem>>) src(%dma_wait3A_74 : memref<10000x64xf32, #tpu.memory_space<hbm>>) dst(%dma_wait3A_68 : memref<128x64xf32, #tpu.memory_space<vmem>>)
        %ge3A = arith.constant 1 : i32
        %ge3A_75 = arith.cmpi sge, %add3A_62, %ge3A : i32
        %convert_element_type3A_76 = arith.extui %ge3A_75 : i1 to i32
        %cond3A_77 = arith.constant 0 : i32
        %cond3A_78 = arith.cmpi ne, %convert_element_type3A_76, %cond3A_77 : i32
        scf.if %cond3A_78 {
          %dma_wait3A_152 = arith.constant 1 : i32
          %dma_wait3A_153 = arith.constant 0 : i32
          %dma_wait3A_154 = arith.constant 0 : i32
          %dma_wait3A_155 = tpu.memref_slice %arg14[%dma_wait3A_152, %dma_wait3A_153, %dma_wait3A_154] : memref<2x128x64xf32, #tpu.memory_space<vmem>> -> memref<1x128x64xf32, #tpu.memory_space<vmem>>
          %dma_wait3A_156 = tpu.memref_squeeze %dma_wait3A_155 : memref<1x128x64xf32, #tpu.memory_space<vmem>> -> memref<128x64xf32, #tpu.memory_space<vmem>>
          %dma_wait3A_157 = arith.constant 0 : i32
          %dma_wait3A_158 = arith.constant 0 : i32
          %dma_wait3A_159 = tpu.memref_slice %arg15[%dma_wait3A_157, %dma_wait3A_158] : memref<10240x64xf32, #tpu.memory_space<vmem_shared>> -> memref<128x64xf32, #tpu.memory_space<vmem_shared>>
          %dma_wait3A_160 = arith.constant 0 : i32
          %dma_wait3A_161 = arith.constant 0 : i32
          %dma_wait3A_162 = tpu.memref_slice %arg15[%dma_wait3A_160, %dma_wait3A_161] : memref<10240x64xf32, #tpu.memory_space<vmem_shared>> -> memref<128x64xf32, #tpu.memory_space<vmem_shared>>
          %dma_wait3A_163 = arith.constant 0 : i32
          %dma_wait3A_164 = arith.constant 0 : i32
          %dma_wait3A_165 = tpu.memref_slice %arg14[%dma_wait3A_152, %dma_wait3A_163, %dma_wait3A_164] : memref<2x128x64xf32, #tpu.memory_space<vmem>> -> memref<1x128x64xf32, #tpu.memory_space<vmem>>
          %dma_wait3A_166 = tpu.memref_squeeze %dma_wait3A_165 : memref<1x128x64xf32, #tpu.memory_space<vmem>> -> memref<128x64xf32, #tpu.memory_space<vmem>>
          tpu.wait_dma2 semaphore(%arg17 : memref<!tpu.dma_semaphore, #tpu.memory_space<semaphore_mem>>) src(%dma_wait3A_166 : memref<128x64xf32, #tpu.memory_space<vmem>>) dst(%dma_wait3A_162 : memref<128x64xf32, #tpu.memory_space<vmem_shared>>)
        } else {
        }
        %le3A = arith.constant 158 : i32
        %le3A_79 = arith.cmpi sle, %add3A_62, %le3A : i32
        %convert_element_type3A_80 = arith.extui %le3A_79 : i1 to i32
        %cond3A_81 = arith.constant 0 : i32
        %cond3A_82 = arith.cmpi ne, %convert_element_type3A_80, %cond3A_81 : i32
        scf.if %cond3A_82 {
          %add3A_152 = arith.constant 1 : i32
          %add3A_153 = arith.addi %add3A_62, %add3A_152 : i32
          %dma_start3A_154 = arith.constant 1 : i32
          %dma_start3A_155 = arith.constant 0 : i32
          %dma_start3A_156 = arith.constant 0 : i32
          %dma_start3A_157 = tpu.memref_slice %arg14[%dma_start3A_154, %dma_start3A_155, %dma_start3A_156] : memref<2x128x64xf32, #tpu.memory_space<vmem>> -> memref<1x128x64xf32, #tpu.memory_space<vmem>>
          %dma_start3A_158 = tpu.memref_squeeze %dma_start3A_157 : memref<1x128x64xf32, #tpu.memory_space<vmem>> -> memref<128x64xf32, #tpu.memory_space<vmem>>
          %dma_start3A_159 = arith.constant 0 : i32
          %dma_start3A_160 = tpu.memref_slice %arg12[%add3A_153, %dma_start3A_159] : memref<160x128xi32, #tpu.memory_space<vmem>> -> memref<1x128xi32, #tpu.memory_space<vmem>>
          %dma_start3A_161 = tpu.memref_squeeze %dma_start3A_160 : memref<1x128xi32, #tpu.memory_space<vmem>> -> memref<128xi32, #tpu.memory_space<vmem>>
          %dma_start3A_162 = arith.constant 0 : i32
          %dma_start3A_163 = arith.constant 0 : i32
          %dma_start3A_164 = tpu.memref_slice %arg2[%dma_start3A_162, %dma_start3A_163] : memref<10000x64xf32, #tpu.memory_space<hbm>> -> memref<10000x64xf32, #tpu.memory_space<hbm>>
          tpu.enqueue_indirect_dma source(%dma_start3A_164 : memref<10000x64xf32, #tpu.memory_space<hbm>>) target(%dma_start3A_158 : memref<128x64xf32, #tpu.memory_space<vmem>>) offsets(%dma_start3A_161 : memref<128xi32, #tpu.memory_space<vmem>>) semaphore(%arg16 : memref<!tpu.dma_semaphore, #tpu.memory_space<semaphore_mem>>)
        } else {
        }
        %dma_start3A_83 = arith.constant 0 : i32
        %dma_start3A_84 = arith.constant 0 : i32
        %dma_start3A_85 = arith.constant 0 : i32
        %dma_start3A_86 = tpu.memref_slice %arg14[%dma_start3A_83, %dma_start3A_84, %dma_start3A_85] : memref<2x128x64xf32, #tpu.memory_space<vmem>> -> memref<1x128x64xf32, #tpu.memory_space<vmem>>
        %dma_start3A_87 = tpu.memref_squeeze %dma_start3A_86 : memref<1x128x64xf32, #tpu.memory_space<vmem>> -> memref<128x64xf32, #tpu.memory_space<vmem>>
        %dma_start3A_88 = arith.constant 0 : i32
        %dma_start3A_89 = tpu.memref_slice %arg13[%add3A_62, %dma_start3A_88] : memref<160x128xi32, #tpu.memory_space<vmem>> -> memref<1x128xi32, #tpu.memory_space<vmem>>
        %dma_start3A_90 = tpu.memref_squeeze %dma_start3A_89 : memref<1x128xi32, #tpu.memory_space<vmem>> -> memref<128xi32, #tpu.memory_space<vmem>>
        %dma_start3A_91 = arith.constant 0 : i32
        %dma_start3A_92 = arith.constant 0 : i32
        %dma_start3A_93 = tpu.memref_slice %arg15[%dma_start3A_91, %dma_start3A_92] : memref<10240x64xf32, #tpu.memory_space<vmem_shared>> -> memref<10240x64xf32, #tpu.memory_space<vmem_shared>>
        tpu.enqueue_indirect_dma source(%dma_start3A_87 : memref<128x64xf32, #tpu.memory_space<vmem>>) target(%dma_start3A_93 : memref<10240x64xf32, #tpu.memory_space<vmem_shared>>) offsets(%dma_start3A_90 : memref<128xi32, #tpu.memory_space<vmem>>) semaphore(%arg17 : memref<!tpu.dma_semaphore, #tpu.memory_space<semaphore_mem>>) {add = true}
        %gt3A = arith.cmpi sgt, %add3A_62, %mul3A_2 : i32
        %lt3A = arith.cmpi slt, %add3A_62, %add3A_3 : i32
        %and3A = arith.andi %gt3A, %lt3A : i1
        %convert_element_type3A_94 = arith.extui %and3A : i1 to i32
        %cond3A_95 = arith.constant 0 : i32
        %cond3A_96 = arith.cmpi ne, %convert_element_type3A_94, %cond3A_95 : i32
        scf.if %cond3A_96 {
          %dma_wait3A_152 = arith.constant 0 : i32
          %dma_wait3A_153 = arith.constant 0 : i32
          %dma_wait3A_154 = tpu.memref_slice %arg19[%dma_wait3A_152, %dma_wait3A_153] : memref<10240x16xf32, #tpu.memory_space<vmem_shared>> -> memref<128x16xf32, #tpu.memory_space<vmem_shared>>
          %dma_wait3A_155 = arith.constant 0 : i32
          %dma_wait3A_156 = arith.constant 0 : i32
          %dma_wait3A_157 = tpu.memref_slice %arg19[%dma_wait3A_155, %dma_wait3A_156] : memref<10240x16xf32, #tpu.memory_space<vmem_shared>> -> memref<128x16xf32, #tpu.memory_space<vmem_shared>>
          tpu.wait_dma2 semaphore(%arg20 : memref<!tpu.dma_semaphore, #tpu.memory_space<semaphore_mem>>) src(%arg18 : memref<128x16xf32, #tpu.memory_space<vmem>>) dst(%dma_wait3A_157 : memref<128x16xf32, #tpu.memory_space<vmem_shared>>)
        } else {
        }
        %ge3A_97 = arith.cmpi sge, %add3A_62, %mul3A_2 : i32
        %lt3A_98 = arith.cmpi slt, %add3A_62, %add3A_3 : i32
        %and3A_99 = arith.andi %ge3A_97, %lt3A_98 : i1
        %convert_element_type3A_100 = arith.extui %and3A_99 : i1 to i32
        %cond3A_101 = arith.constant 0 : i32
        %cond3A_102 = arith.cmpi ne, %convert_element_type3A_100, %cond3A_101 : i32
        scf.if %cond3A_102 {
          %dma_start3A_152 = arith.constant 0 : i32
          %dma_start3A_153 = tpu.memref_slice %arg13[%add3A_62, %dma_start3A_152] : memref<160x128xi32, #tpu.memory_space<vmem>> -> memref<1x128xi32, #tpu.memory_space<vmem>>
          %dma_start3A_154 = tpu.memref_squeeze %dma_start3A_153 : memref<1x128xi32, #tpu.memory_space<vmem>> -> memref<128xi32, #tpu.memory_space<vmem>>
          %dma_start3A_155 = arith.constant 0 : i32
          %dma_start3A_156 = arith.constant 0 : i32
          %dma_start3A_157 = tpu.memref_slice %arg19[%dma_start3A_155, %dma_start3A_156] : memref<10240x16xf32, #tpu.memory_space<vmem_shared>> -> memref<10240x16xf32, #tpu.memory_space<vmem_shared>>
          tpu.enqueue_indirect_dma source(%arg18 : memref<128x16xf32, #tpu.memory_space<vmem>>) target(%dma_start3A_157 : memref<10240x16xf32, #tpu.memory_space<vmem_shared>>) offsets(%dma_start3A_154 : memref<128xi32, #tpu.memory_space<vmem>>) semaphore(%arg20 : memref<!tpu.dma_semaphore, #tpu.memory_space<semaphore_mem>>) {add = true}
        } else {
        }
        %mul3A_103 = arith.constant 2 : i32
        %mul3A_104 = arith.muli %mul3A_103, %scan3A_58 : i32
        %add3A_105 = arith.constant 1 : i32
        %add3A_106 = arith.addi %mul3A_104, %add3A_105 : i32
        %dma_wait3A_107 = arith.constant 0 : i32
        %dma_wait3A_108 = arith.constant 1 : i32
        %dma_wait3A_109 = arith.constant 0 : i32
        %dma_wait3A_110 = arith.constant 0 : i32
        %dma_wait3A_111 = tpu.memref_slice %arg14[%dma_wait3A_108, %dma_wait3A_109, %dma_wait3A_110] : memref<2x128x64xf32, #tpu.memory_space<vmem>> -> memref<1x128x64xf32, #tpu.memory_space<vmem>>
        %dma_wait3A_112 = tpu.memref_squeeze %dma_wait3A_111 : memref<1x128x64xf32, #tpu.memory_space<vmem>> -> memref<128x64xf32, #tpu.memory_space<vmem>>
        %dma_wait3A_113 = arith.constant 0 : i32
        %dma_wait3A_114 = tpu.memref_slice %arg12[%dma_wait3A_107, %dma_wait3A_113] : memref<160x128xi32, #tpu.memory_space<vmem>> -> memref<1x128xi32, #tpu.memory_space<vmem>>
        %dma_wait3A_115 = tpu.memref_squeeze %dma_wait3A_114 : memref<1x128xi32, #tpu.memory_space<vmem>> -> memref<128xi32, #tpu.memory_space<vmem>>
        %dma_wait3A_116 = arith.constant 0 : i32
        %dma_wait3A_117 = arith.constant 0 : i32
        %dma_wait3A_118 = tpu.memref_slice %arg2[%dma_wait3A_116, %dma_wait3A_117] : memref<10000x64xf32, #tpu.memory_space<hbm>> -> memref<10000x64xf32, #tpu.memory_space<hbm>>
        tpu.wait_indirect_dma semaphore(%arg16 : memref<!tpu.dma_semaphore, #tpu.memory_space<semaphore_mem>>) src(%dma_wait3A_118 : memref<10000x64xf32, #tpu.memory_space<hbm>>) dst(%dma_wait3A_112 : memref<128x64xf32, #tpu.memory_space<vmem>>)
        %ge3A_119 = arith.constant 1 : i32
        %ge3A_120 = arith.cmpi sge, %add3A_106, %ge3A_119 : i32
        %convert_element_type3A_121 = arith.extui %ge3A_120 : i1 to i32
        %cond3A_122 = arith.constant 0 : i32
        %cond3A_123 = arith.cmpi ne, %convert_element_type3A_121, %cond3A_122 : i32
        scf.if %cond3A_123 {
          %dma_wait3A_152 = arith.constant 0 : i32
          %dma_wait3A_153 = arith.constant 0 : i32
          %dma_wait3A_154 = arith.constant 0 : i32
          %dma_wait3A_155 = tpu.memref_slice %arg14[%dma_wait3A_152, %dma_wait3A_153, %dma_wait3A_154] : memref<2x128x64xf32, #tpu.memory_space<vmem>> -> memref<1x128x64xf32, #tpu.memory_space<vmem>>
          %dma_wait3A_156 = tpu.memref_squeeze %dma_wait3A_155 : memref<1x128x64xf32, #tpu.memory_space<vmem>> -> memref<128x64xf32, #tpu.memory_space<vmem>>
          %dma_wait3A_157 = arith.constant 0 : i32
          %dma_wait3A_158 = arith.constant 0 : i32
          %dma_wait3A_159 = tpu.memref_slice %arg15[%dma_wait3A_157, %dma_wait3A_158] : memref<10240x64xf32, #tpu.memory_space<vmem_shared>> -> memref<128x64xf32, #tpu.memory_space<vmem_shared>>
          %dma_wait3A_160 = arith.constant 0 : i32
          %dma_wait3A_161 = arith.constant 0 : i32
          %dma_wait3A_162 = tpu.memref_slice %arg15[%dma_wait3A_160, %dma_wait3A_161] : memref<10240x64xf32, #tpu.memory_space<vmem_shared>> -> memref<128x64xf32, #tpu.memory_space<vmem_shared>>
          %dma_wait3A_163 = arith.constant 0 : i32
          %dma_wait3A_164 = arith.constant 0 : i32
          %dma_wait3A_165 = tpu.memref_slice %arg14[%dma_wait3A_152, %dma_wait3A_163, %dma_wait3A_164] : memref<2x128x64xf32, #tpu.memory_space<vmem>> -> memref<1x128x64xf32, #tpu.memory_space<vmem>>
          %dma_wait3A_166 = tpu.memref_squeeze %dma_wait3A_165 : memref<1x128x64xf32, #tpu.memory_space<vmem>> -> memref<128x64xf32, #tpu.memory_space<vmem>>
          tpu.wait_dma2 semaphore(%arg17 : memref<!tpu.dma_semaphore, #tpu.memory_space<semaphore_mem>>) src(%dma_wait3A_166 : memref<128x64xf32, #tpu.memory_space<vmem>>) dst(%dma_wait3A_162 : memref<128x64xf32, #tpu.memory_space<vmem_shared>>)
        } else {
        }
        %le3A_124 = arith.constant 158 : i32
        %le3A_125 = arith.cmpi sle, %add3A_106, %le3A_124 : i32
        %convert_element_type3A_126 = arith.extui %le3A_125 : i1 to i32
        %cond3A_127 = arith.constant 0 : i32
        %cond3A_128 = arith.cmpi ne, %convert_element_type3A_126, %cond3A_127 : i32
        scf.if %cond3A_128 {
          %add3A_152 = arith.constant 1 : i32
          %add3A_153 = arith.addi %add3A_106, %add3A_152 : i32
          %dma_start3A_154 = arith.constant 0 : i32
          %dma_start3A_155 = arith.constant 0 : i32
          %dma_start3A_156 = arith.constant 0 : i32
          %dma_start3A_157 = tpu.memref_slice %arg14[%dma_start3A_154, %dma_start3A_155, %dma_start3A_156] : memref<2x128x64xf32, #tpu.memory_space<vmem>> -> memref<1x128x64xf32, #tpu.memory_space<vmem>>
          %dma_start3A_158 = tpu.memref_squeeze %dma_start3A_157 : memref<1x128x64xf32, #tpu.memory_space<vmem>> -> memref<128x64xf32, #tpu.memory_space<vmem>>
          %dma_start3A_159 = arith.constant 0 : i32
          %dma_start3A_160 = tpu.memref_slice %arg12[%add3A_153, %dma_start3A_159] : memref<160x128xi32, #tpu.memory_space<vmem>> -> memref<1x128xi32, #tpu.memory_space<vmem>>
          %dma_start3A_161 = tpu.memref_squeeze %dma_start3A_160 : memref<1x128xi32, #tpu.memory_space<vmem>> -> memref<128xi32, #tpu.memory_space<vmem>>
          %dma_start3A_162 = arith.constant 0 : i32
          %dma_start3A_163 = arith.constant 0 : i32
          %dma_start3A_164 = tpu.memref_slice %arg2[%dma_start3A_162, %dma_start3A_163] : memref<10000x64xf32, #tpu.memory_space<hbm>> -> memref<10000x64xf32, #tpu.memory_space<hbm>>
          tpu.enqueue_indirect_dma source(%dma_start3A_164 : memref<10000x64xf32, #tpu.memory_space<hbm>>) target(%dma_start3A_158 : memref<128x64xf32, #tpu.memory_space<vmem>>) offsets(%dma_start3A_161 : memref<128xi32, #tpu.memory_space<vmem>>) semaphore(%arg16 : memref<!tpu.dma_semaphore, #tpu.memory_space<semaphore_mem>>)
        } else {
        }
        %dma_start3A_129 = arith.constant 1 : i32
        %dma_start3A_130 = arith.constant 0 : i32
        %dma_start3A_131 = arith.constant 0 : i32
        %dma_start3A_132 = tpu.memref_slice %arg14[%dma_start3A_129, %dma_start3A_130, %dma_start3A_131] : memref<2x128x64xf32, #tpu.memory_space<vmem>> -> memref<1x128x64xf32, #tpu.memory_space<vmem>>
        %dma_start3A_133 = tpu.memref_squeeze %dma_start3A_132 : memref<1x128x64xf32, #tpu.memory_space<vmem>> -> memref<128x64xf32, #tpu.memory_space<vmem>>
        %dma_start3A_134 = arith.constant 0 : i32
        %dma_start3A_135 = tpu.memref_slice %arg13[%add3A_106, %dma_start3A_134] : memref<160x128xi32, #tpu.memory_space<vmem>> -> memref<1x128xi32, #tpu.memory_space<vmem>>
        %dma_start3A_136 = tpu.memref_squeeze %dma_start3A_135 : memref<1x128xi32, #tpu.memory_space<vmem>> -> memref<128xi32, #tpu.memory_space<vmem>>
        %dma_start3A_137 = arith.constant 0 : i32
        %dma_start3A_138 = arith.constant 0 : i32
        %dma_start3A_139 = tpu.memref_slice %arg15[%dma_start3A_137, %dma_start3A_138] : memref<10240x64xf32, #tpu.memory_space<vmem_shared>> -> memref<10240x64xf32, #tpu.memory_space<vmem_shared>>
        tpu.enqueue_indirect_dma source(%dma_start3A_133 : memref<128x64xf32, #tpu.memory_space<vmem>>) target(%dma_start3A_139 : memref<10240x64xf32, #tpu.memory_space<vmem_shared>>) offsets(%dma_start3A_136 : memref<128xi32, #tpu.memory_space<vmem>>) semaphore(%arg17 : memref<!tpu.dma_semaphore, #tpu.memory_space<semaphore_mem>>) {add = true}
        %gt3A_140 = arith.cmpi sgt, %add3A_106, %mul3A_2 : i32
        %lt3A_141 = arith.cmpi slt, %add3A_106, %add3A_3 : i32
        %and3A_142 = arith.andi %gt3A_140, %lt3A_141 : i1
        %convert_element_type3A_143 = arith.extui %and3A_142 : i1 to i32
        %cond3A_144 = arith.constant 0 : i32
        %cond3A_145 = arith.cmpi ne, %convert_element_type3A_143, %cond3A_144 : i32
        scf.if %cond3A_145 {
          %dma_wait3A_152 = arith.constant 0 : i32
          %dma_wait3A_153 = arith.constant 0 : i32
          %dma_wait3A_154 = tpu.memref_slice %arg19[%dma_wait3A_152, %dma_wait3A_153] : memref<10240x16xf32, #tpu.memory_space<vmem_shared>> -> memref<128x16xf32, #tpu.memory_space<vmem_shared>>
          %dma_wait3A_155 = arith.constant 0 : i32
          %dma_wait3A_156 = arith.constant 0 : i32
          %dma_wait3A_157 = tpu.memref_slice %arg19[%dma_wait3A_155, %dma_wait3A_156] : memref<10240x16xf32, #tpu.memory_space<vmem_shared>> -> memref<128x16xf32, #tpu.memory_space<vmem_shared>>
          tpu.wait_dma2 semaphore(%arg20 : memref<!tpu.dma_semaphore, #tpu.memory_space<semaphore_mem>>) src(%arg18 : memref<128x16xf32, #tpu.memory_space<vmem>>) dst(%dma_wait3A_157 : memref<128x16xf32, #tpu.memory_space<vmem_shared>>)
        } else {
        }
        %ge3A_146 = arith.cmpi sge, %add3A_106, %mul3A_2 : i32
        %lt3A_147 = arith.cmpi slt, %add3A_106, %add3A_3 : i32
        %and3A_148 = arith.andi %ge3A_146, %lt3A_147 : i1
        %convert_element_type3A_149 = arith.extui %and3A_148 : i1 to i32
        %cond3A_150 = arith.constant 0 : i32
        %cond3A_151 = arith.cmpi ne, %convert_element_type3A_149, %cond3A_150 : i32
        scf.if %cond3A_151 {
          %dma_start3A_152 = arith.constant 0 : i32
          %dma_start3A_153 = tpu.memref_slice %arg13[%add3A_106, %dma_start3A_152] : memref<160x128xi32, #tpu.memory_space<vmem>> -> memref<1x128xi32, #tpu.memory_space<vmem>>
          %dma_start3A_154 = tpu.memref_squeeze %dma_start3A_153 : memref<1x128xi32, #tpu.memory_space<vmem>> -> memref<128xi32, #tpu.memory_space<vmem>>
          %dma_start3A_155 = arith.constant 0 : i32
          %dma_start3A_156 = arith.constant 0 : i32
          %dma_start3A_157 = tpu.memref_slice %arg19[%dma_start3A_155, %dma_start3A_156] : memref<10240x16xf32, #tpu.memory_space<vmem_shared>> -> memref<10240x16xf32, #tpu.memory_space<vmem_shared>>
          tpu.enqueue_indirect_dma source(%arg18 : memref<128x16xf32, #tpu.memory_space<vmem>>) target(%dma_start3A_157 : memref<10240x16xf32, #tpu.memory_space<vmem_shared>>) offsets(%dma_start3A_154 : memref<128xi32, #tpu.memory_space<vmem>>) semaphore(%arg20 : memref<!tpu.dma_semaphore, #tpu.memory_space<semaphore_mem>>) {add = true}
        } else {
        }
      }
      %scan3A_37 = arith.constant 80 : i32
      %dma_wait3A = arith.constant 1 : i32
      %dma_wait3A_38 = arith.constant 0 : i32
      %dma_wait3A_39 = arith.constant 0 : i32
      %dma_wait3A_40 = tpu.memref_slice %arg14[%dma_wait3A, %dma_wait3A_38, %dma_wait3A_39] : memref<2x128x64xf32, #tpu.memory_space<vmem>> -> memref<1x128x64xf32, #tpu.memory_space<vmem>>
      %dma_wait3A_41 = tpu.memref_squeeze %dma_wait3A_40 : memref<1x128x64xf32, #tpu.memory_space<vmem>> -> memref<128x64xf32, #tpu.memory_space<vmem>>
      %dma_wait3A_42 = arith.constant 0 : i32
      %dma_wait3A_43 = arith.constant 0 : i32
      %dma_wait3A_44 = tpu.memref_slice %arg15[%dma_wait3A_42, %dma_wait3A_43] : memref<10240x64xf32, #tpu.memory_space<vmem_shared>> -> memref<128x64xf32, #tpu.memory_space<vmem_shared>>
      %dma_wait3A_45 = arith.constant 0 : i32
      %dma_wait3A_46 = arith.constant 0 : i32
      %dma_wait3A_47 = tpu.memref_slice %arg15[%dma_wait3A_45, %dma_wait3A_46] : memref<10240x64xf32, #tpu.memory_space<vmem_shared>> -> memref<128x64xf32, #tpu.memory_space<vmem_shared>>
      %dma_wait3A_48 = arith.constant 0 : i32
      %dma_wait3A_49 = arith.constant 0 : i32
      %dma_wait3A_50 = tpu.memref_slice %arg14[%dma_wait3A, %dma_wait3A_48, %dma_wait3A_49] : memref<2x128x64xf32, #tpu.memory_space<vmem>> -> memref<1x128x64xf32, #tpu.memory_space<vmem>>
      %dma_wait3A_51 = tpu.memref_squeeze %dma_wait3A_50 : memref<1x128x64xf32, #tpu.memory_space<vmem>> -> memref<128x64xf32, #tpu.memory_space<vmem>>
      tpu.wait_dma2 semaphore(%arg17 : memref<!tpu.dma_semaphore, #tpu.memory_space<semaphore_mem>>) src(%dma_wait3A_51 : memref<128x64xf32, #tpu.memory_space<vmem>>) dst(%dma_wait3A_47 : memref<128x64xf32, #tpu.memory_space<vmem_shared>>)
      %dma_wait3A_52 = arith.constant 0 : i32
      %dma_wait3A_53 = arith.constant 0 : i32
      %dma_wait3A_54 = tpu.memref_slice %arg19[%dma_wait3A_52, %dma_wait3A_53] : memref<10240x16xf32, #tpu.memory_space<vmem_shared>> -> memref<128x16xf32, #tpu.memory_space<vmem_shared>>
      %dma_wait3A_55 = arith.constant 0 : i32
      %dma_wait3A_56 = arith.constant 0 : i32
      %dma_wait3A_57 = tpu.memref_slice %arg19[%dma_wait3A_55, %dma_wait3A_56] : memref<10240x16xf32, #tpu.memory_space<vmem_shared>> -> memref<128x16xf32, #tpu.memory_space<vmem_shared>>
      tpu.wait_dma2 semaphore(%arg20 : memref<!tpu.dma_semaphore, #tpu.memory_space<semaphore_mem>>) src(%arg18 : memref<128x16xf32, #tpu.memory_space<vmem>>) dst(%dma_wait3A_57 : memref<128x16xf32, #tpu.memory_space<vmem_shared>>)
    } else {
    }
    %eq3A_6 = arith.constant 1 : i32
    %eq3A_7 = arith.cmpi eq, %arg0, %eq3A_6 : i32
    %convert_element_type3A_8 = arith.extui %eq3A_7 : i1 to i32
    %cond3A_9 = arith.constant 0 : i32
    %cond3A_10 = arith.cmpi ne, %convert_element_type3A_8, %cond3A_9 : i32
    scf.if %cond3A_10 {
      %dma_start3A = arith.constant 0 : i32
      %dma_start3A_22 = arith.constant 0 : i32
      %dma_start3A_23 = arith.constant 0 : i32
      %dma_start3A_24 = arith.constant 0 : i32
      %dma_start3A_25 = tpu.memref_slice %arg14[%dma_start3A_22, %dma_start3A_23, %dma_start3A_24] : memref<2x128x64xf32, #tpu.memory_space<vmem>> -> memref<1x128x64xf32, #tpu.memory_space<vmem>>
      %dma_start3A_26 = tpu.memref_squeeze %dma_start3A_25 : memref<1x128x64xf32, #tpu.memory_space<vmem>> -> memref<128x64xf32, #tpu.memory_space<vmem>>
      %dma_start3A_27 = arith.constant 0 : i32
      %dma_start3A_28 = tpu.memref_slice %arg12[%dma_start3A, %dma_start3A_27] : memref<160x128xi32, #tpu.memory_space<vmem>> -> memref<1x128xi32, #tpu.memory_space<vmem>>
      %dma_start3A_29 = tpu.memref_squeeze %dma_start3A_28 : memref<1x128xi32, #tpu.memory_space<vmem>> -> memref<128xi32, #tpu.memory_space<vmem>>
      %dma_start3A_30 = arith.constant 0 : i32
      %dma_start3A_31 = arith.constant 0 : i32
      %dma_start3A_32 = tpu.memref_slice %arg3[%dma_start3A_30, %dma_start3A_31] : memref<10000x64xf32, #tpu.memory_space<hbm>> -> memref<10000x64xf32, #tpu.memory_space<hbm>>
      tpu.enqueue_indirect_dma source(%dma_start3A_32 : memref<10000x64xf32, #tpu.memory_space<hbm>>) target(%dma_start3A_26 : memref<128x64xf32, #tpu.memory_space<vmem>>) offsets(%dma_start3A_29 : memref<128xi32, #tpu.memory_space<vmem>>) semaphore(%arg16 : memref<!tpu.dma_semaphore, #tpu.memory_space<semaphore_mem>>)
      %scan3A = arith.constant 0 : i32
      %scan3A_33 = arith.constant 0 : i32
      %scan3A_34 = arith.constant 80 : i32
      %scan3A_35 = arith.addi %scan3A_33, %scan3A_34 : i32
      %scan3A_36 = arith.constant 1 : i32
      scf.for %scan3A_58 = %scan3A_33 to %scan3A_35 step %scan3A_36  : i32 {
        %mul3A_59 = arith.constant 2 : i32
        %mul3A_60 = arith.muli %mul3A_59, %scan3A_58 : i32
        %add3A_61 = arith.constant 0 : i32
        %add3A_62 = arith.addi %mul3A_60, %add3A_61 : i32
        %dma_wait3A_63 = arith.constant 0 : i32
        %dma_wait3A_64 = arith.constant 0 : i32
        %dma_wait3A_65 = arith.constant 0 : i32
        %dma_wait3A_66 = arith.constant 0 : i32
        %dma_wait3A_67 = tpu.memref_slice %arg14[%dma_wait3A_64, %dma_wait3A_65, %dma_wait3A_66] : memref<2x128x64xf32, #tpu.memory_space<vmem>> -> memref<1x128x64xf32, #tpu.memory_space<vmem>>
        %dma_wait3A_68 = tpu.memref_squeeze %dma_wait3A_67 : memref<1x128x64xf32, #tpu.memory_space<vmem>> -> memref<128x64xf32, #tpu.memory_space<vmem>>
        %dma_wait3A_69 = arith.constant 0 : i32
        %dma_wait3A_70 = tpu.memref_slice %arg12[%dma_wait3A_63, %dma_wait3A_69] : memref<160x128xi32, #tpu.memory_space<vmem>> -> memref<1x128xi32, #tpu.memory_space<vmem>>
        %dma_wait3A_71 = tpu.memref_squeeze %dma_wait3A_70 : memref<1x128xi32, #tpu.memory_space<vmem>> -> memref<128xi32, #tpu.memory_space<vmem>>
        %dma_wait3A_72 = arith.constant 0 : i32
        %dma_wait3A_73 = arith.constant 0 : i32
        %dma_wait3A_74 = tpu.memref_slice %arg3[%dma_wait3A_72, %dma_wait3A_73] : memref<10000x64xf32, #tpu.memory_space<hbm>> -> memref<10000x64xf32, #tpu.memory_space<hbm>>
        tpu.wait_indirect_dma semaphore(%arg16 : memref<!tpu.dma_semaphore, #tpu.memory_space<semaphore_mem>>) src(%dma_wait3A_74 : memref<10000x64xf32, #tpu.memory_space<hbm>>) dst(%dma_wait3A_68 : memref<128x64xf32, #tpu.memory_space<vmem>>)
        %ge3A = arith.constant 1 : i32
        %ge3A_75 = arith.cmpi sge, %add3A_62, %ge3A : i32
        %convert_element_type3A_76 = arith.extui %ge3A_75 : i1 to i32
        %cond3A_77 = arith.constant 0 : i32
        %cond3A_78 = arith.cmpi ne, %convert_element_type3A_76, %cond3A_77 : i32
        scf.if %cond3A_78 {
          %dma_wait3A_152 = arith.constant 1 : i32
          %dma_wait3A_153 = arith.constant 0 : i32
          %dma_wait3A_154 = arith.constant 0 : i32
          %dma_wait3A_155 = tpu.memref_slice %arg14[%dma_wait3A_152, %dma_wait3A_153, %dma_wait3A_154] : memref<2x128x64xf32, #tpu.memory_space<vmem>> -> memref<1x128x64xf32, #tpu.memory_space<vmem>>
          %dma_wait3A_156 = tpu.memref_squeeze %dma_wait3A_155 : memref<1x128x64xf32, #tpu.memory_space<vmem>> -> memref<128x64xf32, #tpu.memory_space<vmem>>
          %dma_wait3A_157 = arith.constant 0 : i32
          %dma_wait3A_158 = arith.constant 0 : i32
          %dma_wait3A_159 = tpu.memref_slice %arg15[%dma_wait3A_157, %dma_wait3A_158] : memref<10240x64xf32, #tpu.memory_space<vmem_shared>> -> memref<128x64xf32, #tpu.memory_space<vmem_shared>>
          %dma_wait3A_160 = arith.constant 0 : i32
          %dma_wait3A_161 = arith.constant 0 : i32
          %dma_wait3A_162 = tpu.memref_slice %arg15[%dma_wait3A_160, %dma_wait3A_161] : memref<10240x64xf32, #tpu.memory_space<vmem_shared>> -> memref<128x64xf32, #tpu.memory_space<vmem_shared>>
          %dma_wait3A_163 = arith.constant 0 : i32
          %dma_wait3A_164 = arith.constant 0 : i32
          %dma_wait3A_165 = tpu.memref_slice %arg14[%dma_wait3A_152, %dma_wait3A_163, %dma_wait3A_164] : memref<2x128x64xf32, #tpu.memory_space<vmem>> -> memref<1x128x64xf32, #tpu.memory_space<vmem>>
          %dma_wait3A_166 = tpu.memref_squeeze %dma_wait3A_165 : memref<1x128x64xf32, #tpu.memory_space<vmem>> -> memref<128x64xf32, #tpu.memory_space<vmem>>
          tpu.wait_dma2 semaphore(%arg17 : memref<!tpu.dma_semaphore, #tpu.memory_space<semaphore_mem>>) src(%dma_wait3A_166 : memref<128x64xf32, #tpu.memory_space<vmem>>) dst(%dma_wait3A_162 : memref<128x64xf32, #tpu.memory_space<vmem_shared>>)
        } else {
        }
        %le3A = arith.constant 158 : i32
        %le3A_79 = arith.cmpi sle, %add3A_62, %le3A : i32
        %convert_element_type3A_80 = arith.extui %le3A_79 : i1 to i32
        %cond3A_81 = arith.constant 0 : i32
        %cond3A_82 = arith.cmpi ne, %convert_element_type3A_80, %cond3A_81 : i32
        scf.if %cond3A_82 {
          %add3A_152 = arith.constant 1 : i32
          %add3A_153 = arith.addi %add3A_62, %add3A_152 : i32
          %dma_start3A_154 = arith.constant 1 : i32
          %dma_start3A_155 = arith.constant 0 : i32
          %dma_start3A_156 = arith.constant 0 : i32
          %dma_start3A_157 = tpu.memref_slice %arg14[%dma_start3A_154, %dma_start3A_155, %dma_start3A_156] : memref<2x128x64xf32, #tpu.memory_space<vmem>> -> memref<1x128x64xf32, #tpu.memory_space<vmem>>
          %dma_start3A_158 = tpu.memref_squeeze %dma_start3A_157 : memref<1x128x64xf32, #tpu.memory_space<vmem>> -> memref<128x64xf32, #tpu.memory_space<vmem>>
          %dma_start3A_159 = arith.constant 0 : i32
          %dma_start3A_160 = tpu.memref_slice %arg12[%add3A_153, %dma_start3A_159] : memref<160x128xi32, #tpu.memory_space<vmem>> -> memref<1x128xi32, #tpu.memory_space<vmem>>
          %dma_start3A_161 = tpu.memref_squeeze %dma_start3A_160 : memref<1x128xi32, #tpu.memory_space<vmem>> -> memref<128xi32, #tpu.memory_space<vmem>>
          %dma_start3A_162 = arith.constant 0 : i32
          %dma_start3A_163 = arith.constant 0 : i32
          %dma_start3A_164 = tpu.memref_slice %arg3[%dma_start3A_162, %dma_start3A_163] : memref<10000x64xf32, #tpu.memory_space<hbm>> -> memref<10000x64xf32, #tpu.memory_space<hbm>>
          tpu.enqueue_indirect_dma source(%dma_start3A_164 : memref<10000x64xf32, #tpu.memory_space<hbm>>) target(%dma_start3A_158 : memref<128x64xf32, #tpu.memory_space<vmem>>) offsets(%dma_start3A_161 : memref<128xi32, #tpu.memory_space<vmem>>) semaphore(%arg16 : memref<!tpu.dma_semaphore, #tpu.memory_space<semaphore_mem>>)
        } else {
        }
        %dma_start3A_83 = arith.constant 0 : i32
        %dma_start3A_84 = arith.constant 0 : i32
        %dma_start3A_85 = arith.constant 0 : i32
        %dma_start3A_86 = tpu.memref_slice %arg14[%dma_start3A_83, %dma_start3A_84, %dma_start3A_85] : memref<2x128x64xf32, #tpu.memory_space<vmem>> -> memref<1x128x64xf32, #tpu.memory_space<vmem>>
        %dma_start3A_87 = tpu.memref_squeeze %dma_start3A_86 : memref<1x128x64xf32, #tpu.memory_space<vmem>> -> memref<128x64xf32, #tpu.memory_space<vmem>>
        %dma_start3A_88 = arith.constant 0 : i32
        %dma_start3A_89 = tpu.memref_slice %arg13[%add3A_62, %dma_start3A_88] : memref<160x128xi32, #tpu.memory_space<vmem>> -> memref<1x128xi32, #tpu.memory_space<vmem>>
        %dma_start3A_90 = tpu.memref_squeeze %dma_start3A_89 : memref<1x128xi32, #tpu.memory_space<vmem>> -> memref<128xi32, #tpu.memory_space<vmem>>
        %dma_start3A_91 = arith.constant 0 : i32
        %dma_start3A_92 = arith.constant 0 : i32
        %dma_start3A_93 = tpu.memref_slice %arg15[%dma_start3A_91, %dma_start3A_92] : memref<10240x64xf32, #tpu.memory_space<vmem_shared>> -> memref<10240x64xf32, #tpu.memory_space<vmem_shared>>
        tpu.enqueue_indirect_dma source(%dma_start3A_87 : memref<128x64xf32, #tpu.memory_space<vmem>>) target(%dma_start3A_93 : memref<10240x64xf32, #tpu.memory_space<vmem_shared>>) offsets(%dma_start3A_90 : memref<128xi32, #tpu.memory_space<vmem>>) semaphore(%arg17 : memref<!tpu.dma_semaphore, #tpu.memory_space<semaphore_mem>>) {add = true}
        %gt3A = arith.cmpi sgt, %add3A_62, %mul3A_2 : i32
        %lt3A = arith.cmpi slt, %add3A_62, %add3A_3 : i32
        %and3A = arith.andi %gt3A, %lt3A : i1
        %convert_element_type3A_94 = arith.extui %and3A : i1 to i32
        %cond3A_95 = arith.constant 0 : i32
        %cond3A_96 = arith.cmpi ne, %convert_element_type3A_94, %cond3A_95 : i32
        scf.if %cond3A_96 {
          %dma_wait3A_152 = arith.constant 0 : i32
          %dma_wait3A_153 = arith.constant 0 : i32
          %dma_wait3A_154 = tpu.memref_slice %arg19[%dma_wait3A_152, %dma_wait3A_153] : memref<10240x16xf32, #tpu.memory_space<vmem_shared>> -> memref<128x16xf32, #tpu.memory_space<vmem_shared>>
          %dma_wait3A_155 = arith.constant 0 : i32
          %dma_wait3A_156 = arith.constant 0 : i32
          %dma_wait3A_157 = tpu.memref_slice %arg19[%dma_wait3A_155, %dma_wait3A_156] : memref<10240x16xf32, #tpu.memory_space<vmem_shared>> -> memref<128x16xf32, #tpu.memory_space<vmem_shared>>
          tpu.wait_dma2 semaphore(%arg20 : memref<!tpu.dma_semaphore, #tpu.memory_space<semaphore_mem>>) src(%arg18 : memref<128x16xf32, #tpu.memory_space<vmem>>) dst(%dma_wait3A_157 : memref<128x16xf32, #tpu.memory_space<vmem_shared>>)
        } else {
        }
        %ge3A_97 = arith.cmpi sge, %add3A_62, %mul3A_2 : i32
        %lt3A_98 = arith.cmpi slt, %add3A_62, %add3A_3 : i32
        %and3A_99 = arith.andi %ge3A_97, %lt3A_98 : i1
        %convert_element_type3A_100 = arith.extui %and3A_99 : i1 to i32
        %cond3A_101 = arith.constant 0 : i32
        %cond3A_102 = arith.cmpi ne, %convert_element_type3A_100, %cond3A_101 : i32
        scf.if %cond3A_102 {
          %dma_start3A_152 = arith.constant 0 : i32
          %dma_start3A_153 = tpu.memref_slice %arg13[%add3A_62, %dma_start3A_152] : memref<160x128xi32, #tpu.memory_space<vmem>> -> memref<1x128xi32, #tpu.memory_space<vmem>>
          %dma_start3A_154 = tpu.memref_squeeze %dma_start3A_153 : memref<1x128xi32, #tpu.memory_space<vmem>> -> memref<128xi32, #tpu.memory_space<vmem>>
          %dma_start3A_155 = arith.constant 0 : i32
          %dma_start3A_156 = arith.constant 0 : i32
          %dma_start3A_157 = tpu.memref_slice %arg19[%dma_start3A_155, %dma_start3A_156] : memref<10240x16xf32, #tpu.memory_space<vmem_shared>> -> memref<10240x16xf32, #tpu.memory_space<vmem_shared>>
          tpu.enqueue_indirect_dma source(%arg18 : memref<128x16xf32, #tpu.memory_space<vmem>>) target(%dma_start3A_157 : memref<10240x16xf32, #tpu.memory_space<vmem_shared>>) offsets(%dma_start3A_154 : memref<128xi32, #tpu.memory_space<vmem>>) semaphore(%arg20 : memref<!tpu.dma_semaphore, #tpu.memory_space<semaphore_mem>>) {add = true}
        } else {
        }
        %mul3A_103 = arith.constant 2 : i32
        %mul3A_104 = arith.muli %mul3A_103, %scan3A_58 : i32
        %add3A_105 = arith.constant 1 : i32
        %add3A_106 = arith.addi %mul3A_104, %add3A_105 : i32
        %dma_wait3A_107 = arith.constant 0 : i32
        %dma_wait3A_108 = arith.constant 1 : i32
        %dma_wait3A_109 = arith.constant 0 : i32
        %dma_wait3A_110 = arith.constant 0 : i32
        %dma_wait3A_111 = tpu.memref_slice %arg14[%dma_wait3A_108, %dma_wait3A_109, %dma_wait3A_110] : memref<2x128x64xf32, #tpu.memory_space<vmem>> -> memref<1x128x64xf32, #tpu.memory_space<vmem>>
        %dma_wait3A_112 = tpu.memref_squeeze %dma_wait3A_111 : memref<1x128x64xf32, #tpu.memory_space<vmem>> -> memref<128x64xf32, #tpu.memory_space<vmem>>
        %dma_wait3A_113 = arith.constant 0 : i32
        %dma_wait3A_114 = tpu.memref_slice %arg12[%dma_wait3A_107, %dma_wait3A_113] : memref<160x128xi32, #tpu.memory_space<vmem>> -> memref<1x128xi32, #tpu.memory_space<vmem>>
        %dma_wait3A_115 = tpu.memref_squeeze %dma_wait3A_114 : memref<1x128xi32, #tpu.memory_space<vmem>> -> memref<128xi32, #tpu.memory_space<vmem>>
        %dma_wait3A_116 = arith.constant 0 : i32
        %dma_wait3A_117 = arith.constant 0 : i32
        %dma_wait3A_118 = tpu.memref_slice %arg3[%dma_wait3A_116, %dma_wait3A_117] : memref<10000x64xf32, #tpu.memory_space<hbm>> -> memref<10000x64xf32, #tpu.memory_space<hbm>>
        tpu.wait_indirect_dma semaphore(%arg16 : memref<!tpu.dma_semaphore, #tpu.memory_space<semaphore_mem>>) src(%dma_wait3A_118 : memref<10000x64xf32, #tpu.memory_space<hbm>>) dst(%dma_wait3A_112 : memref<128x64xf32, #tpu.memory_space<vmem>>)
        %ge3A_119 = arith.constant 1 : i32
        %ge3A_120 = arith.cmpi sge, %add3A_106, %ge3A_119 : i32
        %convert_element_type3A_121 = arith.extui %ge3A_120 : i1 to i32
        %cond3A_122 = arith.constant 0 : i32
        %cond3A_123 = arith.cmpi ne, %convert_element_type3A_121, %cond3A_122 : i32
        scf.if %cond3A_123 {
          %dma_wait3A_152 = arith.constant 0 : i32
          %dma_wait3A_153 = arith.constant 0 : i32
          %dma_wait3A_154 = arith.constant 0 : i32
          %dma_wait3A_155 = tpu.memref_slice %arg14[%dma_wait3A_152, %dma_wait3A_153, %dma_wait3A_154] : memref<2x128x64xf32, #tpu.memory_space<vmem>> -> memref<1x128x64xf32, #tpu.memory_space<vmem>>
          %dma_wait3A_156 = tpu.memref_squeeze %dma_wait3A_155 : memref<1x128x64xf32, #tpu.memory_space<vmem>> -> memref<128x64xf32, #tpu.memory_space<vmem>>
          %dma_wait3A_157 = arith.constant 0 : i32
          %dma_wait3A_158 = arith.constant 0 : i32
          %dma_wait3A_159 = tpu.memref_slice %arg15[%dma_wait3A_157, %dma_wait3A_158] : memref<10240x64xf32, #tpu.memory_space<vmem_shared>> -> memref<128x64xf32, #tpu.memory_space<vmem_shared>>
          %dma_wait3A_160 = arith.constant 0 : i32
          %dma_wait3A_161 = arith.constant 0 : i32
          %dma_wait3A_162 = tpu.memref_slice %arg15[%dma_wait3A_160, %dma_wait3A_161] : memref<10240x64xf32, #tpu.memory_space<vmem_shared>> -> memref<128x64xf32, #tpu.memory_space<vmem_shared>>
          %dma_wait3A_163 = arith.constant 0 : i32
          %dma_wait3A_164 = arith.constant 0 : i32
          %dma_wait3A_165 = tpu.memref_slice %arg14[%dma_wait3A_152, %dma_wait3A_163, %dma_wait3A_164] : memref<2x128x64xf32, #tpu.memory_space<vmem>> -> memref<1x128x64xf32, #tpu.memory_space<vmem>>
          %dma_wait3A_166 = tpu.memref_squeeze %dma_wait3A_165 : memref<1x128x64xf32, #tpu.memory_space<vmem>> -> memref<128x64xf32, #tpu.memory_space<vmem>>
          tpu.wait_dma2 semaphore(%arg17 : memref<!tpu.dma_semaphore, #tpu.memory_space<semaphore_mem>>) src(%dma_wait3A_166 : memref<128x64xf32, #tpu.memory_space<vmem>>) dst(%dma_wait3A_162 : memref<128x64xf32, #tpu.memory_space<vmem_shared>>)
        } else {
        }
        %le3A_124 = arith.constant 158 : i32
        %le3A_125 = arith.cmpi sle, %add3A_106, %le3A_124 : i32
        %convert_element_type3A_126 = arith.extui %le3A_125 : i1 to i32
        %cond3A_127 = arith.constant 0 : i32
        %cond3A_128 = arith.cmpi ne, %convert_element_type3A_126, %cond3A_127 : i32
        scf.if %cond3A_128 {
          %add3A_152 = arith.constant 1 : i32
          %add3A_153 = arith.addi %add3A_106, %add3A_152 : i32
          %dma_start3A_154 = arith.constant 0 : i32
          %dma_start3A_155 = arith.constant 0 : i32
          %dma_start3A_156 = arith.constant 0 : i32
          %dma_start3A_157 = tpu.memref_slice %arg14[%dma_start3A_154, %dma_start3A_155, %dma_start3A_156] : memref<2x128x64xf32, #tpu.memory_space<vmem>> -> memref<1x128x64xf32, #tpu.memory_space<vmem>>
          %dma_start3A_158 = tpu.memref_squeeze %dma_start3A_157 : memref<1x128x64xf32, #tpu.memory_space<vmem>> -> memref<128x64xf32, #tpu.memory_space<vmem>>
          %dma_start3A_159 = arith.constant 0 : i32
          %dma_start3A_160 = tpu.memref_slice %arg12[%add3A_153, %dma_start3A_159] : memref<160x128xi32, #tpu.memory_space<vmem>> -> memref<1x128xi32, #tpu.memory_space<vmem>>
          %dma_start3A_161 = tpu.memref_squeeze %dma_start3A_160 : memref<1x128xi32, #tpu.memory_space<vmem>> -> memref<128xi32, #tpu.memory_space<vmem>>
          %dma_start3A_162 = arith.constant 0 : i32
          %dma_start3A_163 = arith.constant 0 : i32
          %dma_start3A_164 = tpu.memref_slice %arg3[%dma_start3A_162, %dma_start3A_163] : memref<10000x64xf32, #tpu.memory_space<hbm>> -> memref<10000x64xf32, #tpu.memory_space<hbm>>
          tpu.enqueue_indirect_dma source(%dma_start3A_164 : memref<10000x64xf32, #tpu.memory_space<hbm>>) target(%dma_start3A_158 : memref<128x64xf32, #tpu.memory_space<vmem>>) offsets(%dma_start3A_161 : memref<128xi32, #tpu.memory_space<vmem>>) semaphore(%arg16 : memref<!tpu.dma_semaphore, #tpu.memory_space<semaphore_mem>>)
        } else {
        }
        %dma_start3A_129 = arith.constant 1 : i32
        %dma_start3A_130 = arith.constant 0 : i32
        %dma_start3A_131 = arith.constant 0 : i32
        %dma_start3A_132 = tpu.memref_slice %arg14[%dma_start3A_129, %dma_start3A_130, %dma_start3A_131] : memref<2x128x64xf32, #tpu.memory_space<vmem>> -> memref<1x128x64xf32, #tpu.memory_space<vmem>>
        %dma_start3A_133 = tpu.memref_squeeze %dma_start3A_132 : memref<1x128x64xf32, #tpu.memory_space<vmem>> -> memref<128x64xf32, #tpu.memory_space<vmem>>
        %dma_start3A_134 = arith.constant 0 : i32
        %dma_start3A_135 = tpu.memref_slice %arg13[%add3A_106, %dma_start3A_134] : memref<160x128xi32, #tpu.memory_space<vmem>> -> memref<1x128xi32, #tpu.memory_space<vmem>>
        %dma_start3A_136 = tpu.memref_squeeze %dma_start3A_135 : memref<1x128xi32, #tpu.memory_space<vmem>> -> memref<128xi32, #tpu.memory_space<vmem>>
        %dma_start3A_137 = arith.constant 0 : i32
        %dma_start3A_138 = arith.constant 0 : i32
        %dma_start3A_139 = tpu.memref_slice %arg15[%dma_start3A_137, %dma_start3A_138] : memref<10240x64xf32, #tpu.memory_space<vmem_shared>> -> memref<10240x64xf32, #tpu.memory_space<vmem_shared>>
        tpu.enqueue_indirect_dma source(%dma_start3A_133 : memref<128x64xf32, #tpu.memory_space<vmem>>) target(%dma_start3A_139 : memref<10240x64xf32, #tpu.memory_space<vmem_shared>>) offsets(%dma_start3A_136 : memref<128xi32, #tpu.memory_space<vmem>>) semaphore(%arg17 : memref<!tpu.dma_semaphore, #tpu.memory_space<semaphore_mem>>) {add = true}
        %gt3A_140 = arith.cmpi sgt, %add3A_106, %mul3A_2 : i32
        %lt3A_141 = arith.cmpi slt, %add3A_106, %add3A_3 : i32
        %and3A_142 = arith.andi %gt3A_140, %lt3A_141 : i1
        %convert_element_type3A_143 = arith.extui %and3A_142 : i1 to i32
        %cond3A_144 = arith.constant 0 : i32
        %cond3A_145 = arith.cmpi ne, %convert_element_type3A_143, %cond3A_144 : i32
        scf.if %cond3A_145 {
          %dma_wait3A_152 = arith.constant 0 : i32
          %dma_wait3A_153 = arith.constant 0 : i32
          %dma_wait3A_154 = tpu.memref_slice %arg19[%dma_wait3A_152, %dma_wait3A_153] : memref<10240x16xf32, #tpu.memory_space<vmem_shared>> -> memref<128x16xf32, #tpu.memory_space<vmem_shared>>
          %dma_wait3A_155 = arith.constant 0 : i32
          %dma_wait3A_156 = arith.constant 0 : i32
          %dma_wait3A_157 = tpu.memref_slice %arg19[%dma_wait3A_155, %dma_wait3A_156] : memref<10240x16xf32, #tpu.memory_space<vmem_shared>> -> memref<128x16xf32, #tpu.memory_space<vmem_shared>>
          tpu.wait_dma2 semaphore(%arg20 : memref<!tpu.dma_semaphore, #tpu.memory_space<semaphore_mem>>) src(%arg18 : memref<128x16xf32, #tpu.memory_space<vmem>>) dst(%dma_wait3A_157 : memref<128x16xf32, #tpu.memory_space<vmem_shared>>)
        } else {
        }
        %ge3A_146 = arith.cmpi sge, %add3A_106, %mul3A_2 : i32
        %lt3A_147 = arith.cmpi slt, %add3A_106, %add3A_3 : i32
        %and3A_148 = arith.andi %ge3A_146, %lt3A_147 : i1
        %convert_element_type3A_149 = arith.extui %and3A_148 : i1 to i32
        %cond3A_150 = arith.constant 0 : i32
        %cond3A_151 = arith.cmpi ne, %convert_element_type3A_149, %cond3A_150 : i32
        scf.if %cond3A_151 {
          %dma_start3A_152 = arith.constant 0 : i32
          %dma_start3A_153 = tpu.memref_slice %arg13[%add3A_106, %dma_start3A_152] : memref<160x128xi32, #tpu.memory_space<vmem>> -> memref<1x128xi32, #tpu.memory_space<vmem>>
          %dma_start3A_154 = tpu.memref_squeeze %dma_start3A_153 : memref<1x128xi32, #tpu.memory_space<vmem>> -> memref<128xi32, #tpu.memory_space<vmem>>
          %dma_start3A_155 = arith.constant 0 : i32
          %dma_start3A_156 = arith.constant 0 : i32
          %dma_start3A_157 = tpu.memref_slice %arg19[%dma_start3A_155, %dma_start3A_156] : memref<10240x16xf32, #tpu.memory_space<vmem_shared>> -> memref<10240x16xf32, #tpu.memory_space<vmem_shared>>
          tpu.enqueue_indirect_dma source(%arg18 : memref<128x16xf32, #tpu.memory_space<vmem>>) target(%dma_start3A_157 : memref<10240x16xf32, #tpu.memory_space<vmem_shared>>) offsets(%dma_start3A_154 : memref<128xi32, #tpu.memory_space<vmem>>) semaphore(%arg20 : memref<!tpu.dma_semaphore, #tpu.memory_space<semaphore_mem>>) {add = true}
        } else {
        }
      }
      %scan3A_37 = arith.constant 80 : i32
      %dma_wait3A = arith.constant 1 : i32
      %dma_wait3A_38 = arith.constant 0 : i32
      %dma_wait3A_39 = arith.constant 0 : i32
      %dma_wait3A_40 = tpu.memref_slice %arg14[%dma_wait3A, %dma_wait3A_38, %dma_wait3A_39] : memref<2x128x64xf32, #tpu.memory_space<vmem>> -> memref<1x128x64xf32, #tpu.memory_space<vmem>>
      %dma_wait3A_41 = tpu.memref_squeeze %dma_wait3A_40 : memref<1x128x64xf32, #tpu.memory_space<vmem>> -> memref<128x64xf32, #tpu.memory_space<vmem>>
      %dma_wait3A_42 = arith.constant 0 : i32
      %dma_wait3A_43 = arith.constant 0 : i32
      %dma_wait3A_44 = tpu.memref_slice %arg15[%dma_wait3A_42, %dma_wait3A_43] : memref<10240x64xf32, #tpu.memory_space<vmem_shared>> -> memref<128x64xf32, #tpu.memory_space<vmem_shared>>
      %dma_wait3A_45 = arith.constant 0 : i32
      %dma_wait3A_46 = arith.constant 0 : i32
      %dma_wait3A_47 = tpu.memref_slice %arg15[%dma_wait3A_45, %dma_wait3A_46] : memref<10240x64xf32, #tpu.memory_space<vmem_shared>> -> memref<128x64xf32, #tpu.memory_space<vmem_shared>>
      %dma_wait3A_48 = arith.constant 0 : i32
      %dma_wait3A_49 = arith.constant 0 : i32
      %dma_wait3A_50 = tpu.memref_slice %arg14[%dma_wait3A, %dma_wait3A_48, %dma_wait3A_49] : memref<2x128x64xf32, #tpu.memory_space<vmem>> -> memref<1x128x64xf32, #tpu.memory_space<vmem>>
      %dma_wait3A_51 = tpu.memref_squeeze %dma_wait3A_50 : memref<1x128x64xf32, #tpu.memory_space<vmem>> -> memref<128x64xf32, #tpu.memory_space<vmem>>
      tpu.wait_dma2 semaphore(%arg17 : memref<!tpu.dma_semaphore, #tpu.memory_space<semaphore_mem>>) src(%dma_wait3A_51 : memref<128x64xf32, #tpu.memory_space<vmem>>) dst(%dma_wait3A_47 : memref<128x64xf32, #tpu.memory_space<vmem_shared>>)
      %dma_wait3A_52 = arith.constant 0 : i32
      %dma_wait3A_53 = arith.constant 0 : i32
      %dma_wait3A_54 = tpu.memref_slice %arg19[%dma_wait3A_52, %dma_wait3A_53] : memref<10240x16xf32, #tpu.memory_space<vmem_shared>> -> memref<128x16xf32, #tpu.memory_space<vmem_shared>>
      %dma_wait3A_55 = arith.constant 0 : i32
      %dma_wait3A_56 = arith.constant 0 : i32
      %dma_wait3A_57 = tpu.memref_slice %arg19[%dma_wait3A_55, %dma_wait3A_56] : memref<10240x16xf32, #tpu.memory_space<vmem_shared>> -> memref<128x16xf32, #tpu.memory_space<vmem_shared>>
      tpu.wait_dma2 semaphore(%arg20 : memref<!tpu.dma_semaphore, #tpu.memory_space<semaphore_mem>>) src(%arg18 : memref<128x16xf32, #tpu.memory_space<vmem>>) dst(%dma_wait3A_57 : memref<128x16xf32, #tpu.memory_space<vmem_shared>>)
    } else {
    }
    %barrier3A_11 = arith.constant 0 : index
    tpu.barrier barrier_id(%barrier3A_11)
    %eq3A_12 = arith.constant 0 : i32
    %eq3A_13 = arith.cmpi eq, %arg0, %eq3A_12 : i32
    %convert_element_type3A_14 = arith.extui %eq3A_13 : i1 to i32
    %cond3A_15 = arith.constant 0 : i32
    %cond3A_16 = arith.cmpi ne, %convert_element_type3A_14, %cond3A_15 : i32
    scf.if %cond3A_16 {
      "tpu.region"() ({
        %run_scoped3A = tpu.sem_alloc : memref<!tpu.dma_semaphore, #tpu.memory_space<semaphore_mem>>
        %dma_start3A = arith.constant 0 : i32
        %dma_start3A_22 = tpu.memref_slice %arg9[%mul3A_0, %dma_start3A] : memref<10240x64xf32, #tpu.memory_space<hbm>> -> memref<640x64xf32, #tpu.memory_space<hbm>>
        %dma_start3A_23 = arith.constant 0 : i32
        %dma_start3A_24 = tpu.memref_slice %arg15[%mul3A_0, %dma_start3A_23] : memref<10240x64xf32, #tpu.memory_space<vmem_shared>> -> memref<640x64xf32, #tpu.memory_space<vmem_shared>>
        tpu.enqueue_dma source(%dma_start3A_24 : memref<640x64xf32, #tpu.memory_space<vmem_shared>>) target(%dma_start3A_22 : memref<640x64xf32, #tpu.memory_space<hbm>>) target_semaphore(%run_scoped3A : memref<!tpu.dma_semaphore, #tpu.memory_space<semaphore_mem>>)
        %dma_wait3A = arith.constant 0 : i32
        %dma_wait3A_25 = tpu.memref_slice %arg9[%mul3A_0, %dma_wait3A] : memref<10240x64xf32, #tpu.memory_space<hbm>> -> memref<640x64xf32, #tpu.memory_space<hbm>>
        %dma_wait3A_26 = arith.constant 0 : i32
        %dma_wait3A_27 = tpu.memref_slice %arg15[%mul3A_0, %dma_wait3A_26] : memref<10240x64xf32, #tpu.memory_space<vmem_shared>> -> memref<640x64xf32, #tpu.memory_space<vmem_shared>>
        tpu.wait_dma2 semaphore(%run_scoped3A : memref<!tpu.dma_semaphore, #tpu.memory_space<semaphore_mem>>) src(%dma_wait3A_27 : memref<640x64xf32, #tpu.memory_space<vmem_shared>>) dst(%dma_wait3A_25 : memref<640x64xf32, #tpu.memory_space<hbm>>)
        tpu.yield
      }) : () -> ()
    } else {
    }
    %eq3A_17 = arith.constant 1 : i32
    %eq3A_18 = arith.cmpi eq, %arg0, %eq3A_17 : i32
    %convert_element_type3A_19 = arith.extui %eq3A_18 : i1 to i32
    %cond3A_20 = arith.constant 0 : i32
    %cond3A_21 = arith.cmpi ne, %convert_element_type3A_19, %cond3A_20 : i32
    scf.if %cond3A_21 {
      "tpu.region"() ({
        %run_scoped3A = tpu.sem_alloc : memref<!tpu.dma_semaphore, #tpu.memory_space<semaphore_mem>>
        %dma_start3A = arith.constant 0 : i32
        %dma_start3A_22 = tpu.memref_slice %arg10[%mul3A_0, %dma_start3A] : memref<10240x64xf32, #tpu.memory_space<hbm>> -> memref<640x64xf32, #tpu.memory_space<hbm>>
        %dma_start3A_23 = arith.constant 0 : i32
        %dma_start3A_24 = tpu.memref_slice %arg15[%mul3A_0, %dma_start3A_23] : memref<10240x64xf32, #tpu.memory_space<vmem_shared>> -> memref<640x64xf32, #tpu.memory_space<vmem_shared>>
        tpu.enqueue_dma source(%dma_start3A_24 : memref<640x64xf32, #tpu.memory_space<vmem_shared>>) target(%dma_start3A_22 : memref<640x64xf32, #tpu.memory_space<hbm>>) target_semaphore(%run_scoped3A : memref<!tpu.dma_semaphore, #tpu.memory_space<semaphore_mem>>)
        %dma_wait3A = arith.constant 0 : i32
        %dma_wait3A_25 = tpu.memref_slice %arg10[%mul3A_0, %dma_wait3A] : memref<10240x64xf32, #tpu.memory_space<hbm>> -> memref<640x64xf32, #tpu.memory_space<hbm>>
        %dma_wait3A_26 = arith.constant 0 : i32
        %dma_wait3A_27 = tpu.memref_slice %arg15[%mul3A_0, %dma_wait3A_26] : memref<10240x64xf32, #tpu.memory_space<vmem_shared>> -> memref<640x64xf32, #tpu.memory_space<vmem_shared>>
        tpu.wait_dma2 semaphore(%run_scoped3A : memref<!tpu.dma_semaphore, #tpu.memory_space<semaphore_mem>>) src(%dma_wait3A_27 : memref<640x64xf32, #tpu.memory_space<vmem_shared>>) dst(%dma_wait3A_25 : memref<640x64xf32, #tpu.memory_space<hbm>>)
        tpu.yield
      }) : () -> ()
    } else {
    }
    "tpu.region"() ({
      %run_scoped3A = tpu.sem_alloc : memref<!tpu.dma_semaphore, #tpu.memory_space<semaphore_mem>>
      %dma_start3A = arith.constant 0 : i32
      %dma_start3A_22 = tpu.memref_slice %arg11[%arg0, %mul3A_0, %dma_start3A] : memref<2x10240x16xf32, #tpu.memory_space<hbm>> -> memref<1x640x16xf32, #tpu.memory_space<hbm>>
      %dma_start3A_23 = tpu.memref_squeeze %dma_start3A_22 : memref<1x640x16xf32, #tpu.memory_space<hbm>> -> memref<640x16xf32, #tpu.memory_space<hbm>>
      %dma_start3A_24 = arith.constant 0 : i32
      %dma_start3A_25 = tpu.memref_slice %arg19[%mul3A_0, %dma_start3A_24] : memref<10240x16xf32, #tpu.memory_space<vmem_shared>> -> memref<640x16xf32, #tpu.memory_space<vmem_shared>>
      tpu.enqueue_dma source(%dma_start3A_25 : memref<640x16xf32, #tpu.memory_space<vmem_shared>>) target(%dma_start3A_23 : memref<640x16xf32, #tpu.memory_space<hbm>>) target_semaphore(%run_scoped3A : memref<!tpu.dma_semaphore, #tpu.memory_space<semaphore_mem>>)
      %dma_wait3A = arith.constant 0 : i32
      %dma_wait3A_26 = tpu.memref_slice %arg11[%arg0, %mul3A_0, %dma_wait3A] : memref<2x10240x16xf32, #tpu.memory_space<hbm>> -> memref<1x640x16xf32, #tpu.memory_space<hbm>>
      %dma_wait3A_27 = tpu.memref_squeeze %dma_wait3A_26 : memref<1x640x16xf32, #tpu.memory_space<hbm>> -> memref<640x16xf32, #tpu.memory_space<hbm>>
      %dma_wait3A_28 = arith.constant 0 : i32
      %dma_wait3A_29 = tpu.memref_slice %arg19[%mul3A_0, %dma_wait3A_28] : memref<10240x16xf32, #tpu.memory_space<vmem_shared>> -> memref<640x16xf32, #tpu.memory_space<vmem_shared>>
      tpu.wait_dma2 semaphore(%run_scoped3A : memref<!tpu.dma_semaphore, #tpu.memory_space<semaphore_mem>>) src(%dma_wait3A_29 : memref<640x16xf32, #tpu.memory_space<vmem_shared>>) dst(%dma_wait3A_27 : memref<640x16xf32, #tpu.memory_space<hbm>>)
      tpu.yield
    }) : () -> ()
    return
  }
}

module attributes {stable_mosaic.version = 14 : i64} {
  func.func @_tc1_body(%arg0: i32, %arg1: memref<1000x64xf32, #tpu.memory_space<vmem>>, %arg2: memref<1000x64xf32, #tpu.memory_space<vmem>>, %arg3: memref<1000x16xf32, #tpu.memory_space<vmem>>, %arg4: memref<1000x16xf32, #tpu.memory_space<vmem>>, %arg5: memref<128x128xf32, #tpu.memory_space<vmem>>, %arg6: memref<1x128xf32, #tpu.memory_space<vmem>>, %arg7: memref<1000x64xf32, #tpu.memory_space<vmem>>, %arg8: memref<1000x64xf32, #tpu.memory_space<vmem>>) attributes {dimension_semantics = [#tpu.dimension_semantics<arbitrary>], iteration_bounds = array<i64: 10>, scalar_prefetch = 0 : i64, scratch_operands = 0 : i64, tpu.core_type = #tpu.core_type<tc>, window_params = [{transform_indices = @transform_0, window_bounds = array<i64: 1000, 64>}, {transform_indices = @transform_1, window_bounds = array<i64: 1000, 64>}, {transform_indices = @transform_2, window_bounds = array<i64: 1000, 16>}, {transform_indices = @transform_3, window_bounds = array<i64: 1000, 16>}, {pipeline_mode = #tpu.pipeline_mode<synchronous>, transform_indices = @transform_4, window_bounds = array<i64: 128, 128>}, {pipeline_mode = #tpu.pipeline_mode<synchronous>, transform_indices = @transform_5, window_bounds = array<i64: 1, 128>}, {transform_indices = @transform_6, window_bounds = array<i64: 1000, 64>}, {transform_indices = @transform_7, window_bounds = array<i64: 1000, 64>}]} {
    %get3A = arith.constant 0 : index
    %get3A_0 = arith.constant 0 : index
    %get3A_1 = vector.load %arg3[%get3A, %get3A_0] : memref<1000x16xf32, #tpu.memory_space<vmem>>, vector<1000x1xf32>
    %get3A_2 = arith.constant 0 : index
    %get3A_3 = arith.constant 0 : index
    %get3A_4 = vector.load %arg4[%get3A_2, %get3A_3] : memref<1000x16xf32, #tpu.memory_space<vmem>>, vector<1000x1xf32>
    %add3A = arith.addf %get3A_1, %get3A_4 : vector<1000x1xf32>
    %max3A = arith.constant 1.000000e+00 : f32
    %max3A_5 = vector.broadcast %max3A : f32 to vector<1000x1xf32>
    %max3A_6 = arith.maximumf %add3A, %max3A_5 : vector<1000x1xf32>
    %get3A_7 = arith.constant 0 : index
    %get3A_8 = arith.constant 0 : index
    %get3A_9 = vector.load %arg1[%get3A_7, %get3A_8] : memref<1000x64xf32, #tpu.memory_space<vmem>>, vector<1000x64xf32>
    %get3A_10 = arith.constant 0 : index
    %get3A_11 = arith.constant 0 : index
    %get3A_12 = vector.load %arg2[%get3A_10, %get3A_11] : memref<1000x64xf32, #tpu.memory_space<vmem>>, vector<1000x64xf32>
    %concatenate3A = tpu.concatenate %get3A_9, %get3A_12 in 1 : vector<1000x64xf32>, vector<1000x64xf32> -> vector<1000x128xf32>
    %div3A = vector.broadcast %max3A_6 : vector<1000x1xf32> to vector<1000x128xf32>
    %div3A_13 = arith.divf %concatenate3A, %div3A : vector<1000x128xf32>
    %get3A_14 = arith.constant 0 : index
    %get3A_15 = arith.constant 0 : index
    %get3A_16 = vector.load %arg5[%get3A_14, %get3A_15] : memref<128x128xf32, #tpu.memory_space<vmem>>, vector<128x128xf32>
    %dot_general3A = arith.constant dense<0.000000e+00> : vector<1000x128xf32>
    %dot_general3A_17 = tpu.matmul %div3A_13, %get3A_16, %dot_general3A {dimension_numbers = #tpu.dot_dimension_numbers<[1], [0], [0], [1], [0, 0, 1, 1], [], []>, precision = #tpu.contract_precision<fp32>, transpose_lhs_hint = false} : vector<1000x128xf32>, vector<128x128xf32>, vector<1000x128xf32> -> vector<1000x128xf32>
    %get3A_18 = arith.constant 0 : index
    %get3A_19 = arith.constant 0 : index
    %get3A_20 = vector.load %arg6[%get3A_18, %get3A_19] : memref<1x128xf32, #tpu.memory_space<vmem>>, vector<1x128xf32>
    %add3A_21 = vector.broadcast %get3A_20 : vector<1x128xf32> to vector<1000x128xf32>
    %add3A_22 = arith.addf %dot_general3A_17, %add3A_21 : vector<1000x128xf32>
    %max3A_23 = arith.constant 0.000000e+00 : f32
    %max3A_24 = vector.broadcast %max3A_23 : f32 to vector<1000x128xf32>
    %max3A_25 = arith.maximumf %add3A_22, %max3A_24 : vector<1000x128xf32>
    %mul3A = arith.mulf %max3A_25, %max3A_25 : vector<1000x128xf32>
    %reduce_sum3A = arith.constant dense<0.000000e+00> : vector<1000xf32>
    %reduce_sum3A_26 = vector.multi_reduction <add>, %mul3A, %reduce_sum3A [1] : vector<1000x128xf32> to vector<1000xf32>
    %broadcast_in_dim3A = vector.shape_cast %reduce_sum3A_26 : vector<1000xf32> to vector<1000x1xf32>
    %max3A_27 = arith.constant 1.000000e-24 : f32
    %max3A_28 = vector.broadcast %max3A_27 : f32 to vector<1000x1xf32>
    %max3A_29 = arith.maximumf %broadcast_in_dim3A, %max3A_28 : vector<1000x1xf32>
    %rsqrt3A = math.rsqrt %max3A_29 : vector<1000x1xf32>
    %mul3A_30 = vector.broadcast %rsqrt3A : vector<1000x1xf32> to vector<1000x128xf32>
    %mul3A_31 = arith.mulf %max3A_25, %mul3A_30 : vector<1000x128xf32>
    %slice3A = vector.extract_strided_slice %mul3A_31 {offsets = [0, 0], sizes = [1000, 64], strides = [1, 1]} : vector<1000x128xf32> to vector<1000x64xf32>
    %swap3A = arith.constant 0 : index
    %swap3A_32 = arith.constant 0 : index
    %swap3A_33 = vector.load %arg7[%swap3A, %swap3A_32] : memref<1000x64xf32, #tpu.memory_space<vmem>>, vector<1000x64xf32>
    tpu.vector_store %arg7[%swap3A, %swap3A_32], %slice3A {strides = array<i32>} : memref<1000x64xf32, #tpu.memory_space<vmem>>, vector<1000x64xf32>,
    %slice3A_34 = vector.extract_strided_slice %mul3A_31 {offsets = [0, 64], sizes = [1000, 64], strides = [1, 1]} : vector<1000x128xf32> to vector<1000x64xf32>
    %swap3A_35 = arith.constant 0 : index
    %swap3A_36 = arith.constant 0 : index
    %swap3A_37 = vector.load %arg8[%swap3A_35, %swap3A_36] : memref<1000x64xf32, #tpu.memory_space<vmem>>, vector<1000x64xf32>
    tpu.vector_store %arg8[%swap3A_35, %swap3A_36], %slice3A_34 {strides = array<i32>} : memref<1000x64xf32, #tpu.memory_space<vmem>>, vector<1000x64xf32>,
    return
  }
  func.func @transform_0(%arg0: i32) -> (i32, i32) {
    %c0_i32 = arith.constant 0 : i32
    %c0_i32_0 = arith.constant 0 : i32
    return %arg0, %c0_i32 : i32, i32
  }
  func.func @transform_1(%arg0: i32) -> (i32, i32) {
    %c0_i32 = arith.constant 0 : i32
    %c0_i32_0 = arith.constant 0 : i32
    return %arg0, %c0_i32 : i32, i32
  }
  func.func @transform_2(%arg0: i32) -> (i32, i32) {
    %c0_i32 = arith.constant 0 : i32
    %c0_i32_0 = arith.constant 0 : i32
    return %arg0, %c0_i32 : i32, i32
  }
  func.func @transform_3(%arg0: i32) -> (i32, i32) {
    %c0_i32 = arith.constant 0 : i32
    %c0_i32_0 = arith.constant 0 : i32
    return %arg0, %c0_i32 : i32, i32
  }
  func.func @transform_4(%arg0: i32) -> (i32, i32) {
    %c0_i32 = arith.constant 0 : i32
    %c0_i32_0 = arith.constant 0 : i32
    %c0_i32_1 = arith.constant 0 : i32
    return %c0_i32, %c0_i32_0 : i32, i32
  }
  func.func @transform_5(%arg0: i32) -> (i32, i32) {
    %c0_i32 = arith.constant 0 : i32
    %c0_i32_0 = arith.constant 0 : i32
    %c0_i32_1 = arith.constant 0 : i32
    return %c0_i32, %c0_i32_0 : i32, i32
  }
  func.func @transform_6(%arg0: i32) -> (i32, i32) {
    %c0_i32 = arith.constant 0 : i32
    %c0_i32_0 = arith.constant 0 : i32
    return %arg0, %c0_i32 : i32, i32
  }
  func.func @transform_7(%arg0: i32) -> (i32, i32) {
    %c0_i32 = arith.constant 0 : i32
    %c0_i32_0 = arith.constant 0 : i32
    return %arg0, %c0_i32 : i32, i32
  }
}

module attributes {stable_mosaic.version = 14 : i64} {
  func.func @_tc2_body(%arg0: i32, %arg1: memref<1000x64xf32, #tpu.memory_space<vmem>>, %arg2: memref<1000x64xf32, #tpu.memory_space<vmem>>, %arg3: memref<1000x16xf32, #tpu.memory_space<vmem>>, %arg4: memref<1000x16xf32, #tpu.memory_space<vmem>>, %arg5: memref<128x128xf32, #tpu.memory_space<vmem>>, %arg6: memref<1x128xf32, #tpu.memory_space<vmem>>, %arg7: memref<128x64xf32, #tpu.memory_space<vmem>>, %arg8: memref<1x64xf32, #tpu.memory_space<vmem>>, %arg9: memref<1000x64xf32, #tpu.memory_space<vmem>>) attributes {dimension_semantics = [#tpu.dimension_semantics<arbitrary>], iteration_bounds = array<i64: 10>, scalar_prefetch = 0 : i64, scratch_operands = 0 : i64, tpu.core_type = #tpu.core_type<tc>, window_params = [{transform_indices = @transform_0, window_bounds = array<i64: 1000, 64>}, {transform_indices = @transform_1, window_bounds = array<i64: 1000, 64>}, {transform_indices = @transform_2, window_bounds = array<i64: 1000, 16>}, {transform_indices = @transform_3, window_bounds = array<i64: 1000, 16>}, {pipeline_mode = #tpu.pipeline_mode<synchronous>, transform_indices = @transform_4, window_bounds = array<i64: 128, 128>}, {pipeline_mode = #tpu.pipeline_mode<synchronous>, transform_indices = @transform_5, window_bounds = array<i64: 1, 128>}, {pipeline_mode = #tpu.pipeline_mode<synchronous>, transform_indices = @transform_6, window_bounds = array<i64: 128, 64>}, {pipeline_mode = #tpu.pipeline_mode<synchronous>, transform_indices = @transform_7, window_bounds = array<i64: 1, 64>}, {transform_indices = @transform_8, window_bounds = array<i64: 1000, 64>}]} {
    %get3A = arith.constant 0 : index
    %get3A_0 = arith.constant 0 : index
    %get3A_1 = vector.load %arg3[%get3A, %get3A_0] : memref<1000x16xf32, #tpu.memory_space<vmem>>, vector<1000x1xf32>
    %get3A_2 = arith.constant 0 : index
    %get3A_3 = arith.constant 0 : index
    %get3A_4 = vector.load %arg4[%get3A_2, %get3A_3] : memref<1000x16xf32, #tpu.memory_space<vmem>>, vector<1000x1xf32>
    %add3A = arith.addf %get3A_1, %get3A_4 : vector<1000x1xf32>
    %max3A = arith.constant 1.000000e+00 : f32
    %max3A_5 = vector.broadcast %max3A : f32 to vector<1000x1xf32>
    %max3A_6 = arith.maximumf %add3A, %max3A_5 : vector<1000x1xf32>
    %get3A_7 = arith.constant 0 : index
    %get3A_8 = arith.constant 0 : index
    %get3A_9 = vector.load %arg1[%get3A_7, %get3A_8] : memref<1000x64xf32, #tpu.memory_space<vmem>>, vector<1000x64xf32>
    %get3A_10 = arith.constant 0 : index
    %get3A_11 = arith.constant 0 : index
    %get3A_12 = vector.load %arg2[%get3A_10, %get3A_11] : memref<1000x64xf32, #tpu.memory_space<vmem>>, vector<1000x64xf32>
    %concatenate3A = tpu.concatenate %get3A_9, %get3A_12 in 1 : vector<1000x64xf32>, vector<1000x64xf32> -> vector<1000x128xf32>
    %div3A = vector.broadcast %max3A_6 : vector<1000x1xf32> to vector<1000x128xf32>
    %div3A_13 = arith.divf %concatenate3A, %div3A : vector<1000x128xf32>
    %get3A_14 = arith.constant 0 : index
    %get3A_15 = arith.constant 0 : index
    %get3A_16 = vector.load %arg5[%get3A_14, %get3A_15] : memref<128x128xf32, #tpu.memory_space<vmem>>, vector<128x128xf32>
    %dot_general3A = arith.constant dense<0.000000e+00> : vector<1000x128xf32>
    %dot_general3A_17 = tpu.matmul %div3A_13, %get3A_16, %dot_general3A {dimension_numbers = #tpu.dot_dimension_numbers<[1], [0], [0], [1], [0, 0, 1, 1], [], []>, precision = #tpu.contract_precision<fp32>, transpose_lhs_hint = false} : vector<1000x128xf32>, vector<128x128xf32>, vector<1000x128xf32> -> vector<1000x128xf32>
    %get3A_18 = arith.constant 0 : index
    %get3A_19 = arith.constant 0 : index
    %get3A_20 = vector.load %arg6[%get3A_18, %get3A_19] : memref<1x128xf32, #tpu.memory_space<vmem>>, vector<1x128xf32>
    %add3A_21 = vector.broadcast %get3A_20 : vector<1x128xf32> to vector<1000x128xf32>
    %add3A_22 = arith.addf %dot_general3A_17, %add3A_21 : vector<1000x128xf32>
    %max3A_23 = arith.constant 0.000000e+00 : f32
    %max3A_24 = vector.broadcast %max3A_23 : f32 to vector<1000x128xf32>
    %max3A_25 = arith.maximumf %add3A_22, %max3A_24 : vector<1000x128xf32>
    %get3A_26 = arith.constant 0 : index
    %get3A_27 = arith.constant 0 : index
    %get3A_28 = vector.load %arg7[%get3A_26, %get3A_27] : memref<128x64xf32, #tpu.memory_space<vmem>>, vector<128x64xf32>
    %dot_general3A_29 = arith.constant dense<0.000000e+00> : vector<1000x64xf32>
    %dot_general3A_30 = tpu.matmul %max3A_25, %get3A_28, %dot_general3A_29 {dimension_numbers = #tpu.dot_dimension_numbers<[1], [0], [0], [1], [0, 0, 1, 1], [], []>, precision = #tpu.contract_precision<fp32>, transpose_lhs_hint = false} : vector<1000x128xf32>, vector<128x64xf32>, vector<1000x64xf32> -> vector<1000x64xf32>
    %get3A_31 = arith.constant 0 : index
    %get3A_32 = arith.constant 0 : index
    %get3A_33 = vector.load %arg8[%get3A_31, %get3A_32] : memref<1x64xf32, #tpu.memory_space<vmem>>, vector<1x64xf32>
    %add3A_34 = vector.broadcast %get3A_33 : vector<1x64xf32> to vector<1000x64xf32>
    %add3A_35 = arith.addf %dot_general3A_30, %add3A_34 : vector<1000x64xf32>
    %mul3A = arith.mulf %add3A_35, %add3A_35 : vector<1000x64xf32>
    %reduce_sum3A = arith.constant dense<0.000000e+00> : vector<1000xf32>
    %reduce_sum3A_36 = vector.multi_reduction <add>, %mul3A, %reduce_sum3A [1] : vector<1000x64xf32> to vector<1000xf32>
    %broadcast_in_dim3A = vector.shape_cast %reduce_sum3A_36 : vector<1000xf32> to vector<1000x1xf32>
    %max3A_37 = arith.constant 1.000000e-24 : f32
    %max3A_38 = vector.broadcast %max3A_37 : f32 to vector<1000x1xf32>
    %max3A_39 = arith.maximumf %broadcast_in_dim3A, %max3A_38 : vector<1000x1xf32>
    %rsqrt3A = math.rsqrt %max3A_39 : vector<1000x1xf32>
    %mul3A_40 = vector.broadcast %rsqrt3A : vector<1000x1xf32> to vector<1000x64xf32>
    %mul3A_41 = arith.mulf %add3A_35, %mul3A_40 : vector<1000x64xf32>
    %swap3A = arith.constant 0 : index
    %swap3A_42 = arith.constant 0 : index
    %swap3A_43 = vector.load %arg9[%swap3A, %swap3A_42] : memref<1000x64xf32, #tpu.memory_space<vmem>>, vector<1000x64xf32>
    tpu.vector_store %arg9[%swap3A, %swap3A_42], %mul3A_41 {strides = array<i32>} : memref<1000x64xf32, #tpu.memory_space<vmem>>, vector<1000x64xf32>,
    return
  }
  func.func @transform_0(%arg0: i32) -> (i32, i32) {
    %c0_i32 = arith.constant 0 : i32
    %c0_i32_0 = arith.constant 0 : i32
    return %arg0, %c0_i32 : i32, i32
  }
  func.func @transform_1(%arg0: i32) -> (i32, i32) {
    %c0_i32 = arith.constant 0 : i32
    %c0_i32_0 = arith.constant 0 : i32
    return %arg0, %c0_i32 : i32, i32
  }
  func.func @transform_2(%arg0: i32) -> (i32, i32) {
    %c0_i32 = arith.constant 0 : i32
    %c0_i32_0 = arith.constant 0 : i32
    return %arg0, %c0_i32 : i32, i32
  }
  func.func @transform_3(%arg0: i32) -> (i32, i32) {
    %c0_i32 = arith.constant 0 : i32
    %c0_i32_0 = arith.constant 0 : i32
    return %arg0, %c0_i32 : i32, i32
  }
  func.func @transform_4(%arg0: i32) -> (i32, i32) {
    %c0_i32 = arith.constant 0 : i32
    %c0_i32_0 = arith.constant 0 : i32
    %c0_i32_1 = arith.constant 0 : i32
    return %c0_i32, %c0_i32_0 : i32, i32
  }
  func.func @transform_5(%arg0: i32) -> (i32, i32) {
    %c0_i32 = arith.constant 0 : i32
    %c0_i32_0 = arith.constant 0 : i32
    %c0_i32_1 = arith.constant 0 : i32
    return %c0_i32, %c0_i32_0 : i32, i32
  }
  func.func @transform_6(%arg0: i32) -> (i32, i32) {
    %c0_i32 = arith.constant 0 : i32
    %c0_i32_0 = arith.constant 0 : i32
    %c0_i32_1 = arith.constant 0 : i32
    return %c0_i32, %c0_i32_0 : i32, i32
  }
  func.func @transform_7(%arg0: i32) -> (i32, i32) {
    %c0_i32 = arith.constant 0 : i32
    %c0_i32_0 = arith.constant 0 : i32
    %c0_i32_1 = arith.constant 0 : i32
    return %c0_i32, %c0_i32_0 : i32, i32
  }
  func.func @transform_8(%arg0: i32) -> (i32, i32) {
    %c0_i32 = arith.constant 0 : i32
    %c0_i32_0 = arith.constant 0 : i32
    return %arg0, %c0_i32 : i32, i32
  }
}

</mosaic_0001>

<sc_bundles>
// kernel: kernel.6.cloned.1.call-start
scs
__scs_entry_jumppad:
0x0: {  	(pc) =	sbr.rel $0x88, $3  }
0x1: {  	(tag) =	ssettag $0x0;
	lr =	simm.s32 $0x1  }
0x2: {  	[smem:$0x3F99] =	sst lr;
	_ =	strace $0xD0000000  }
0x3: {  	_ = 	snop  }
0x4: {  	_ = 	snop  }
0x5: {  	_ = 	snop  }
0x6: {  	_ = 	snop  }
0x7: {  	_ = 	snop  }
__scs_overlays_trampoline_lowered:
0x8: {  	[smem:$0x3FA8] =	sst s0  }
0x9: {  	[smem:$0x3FA9] =	sst s1  }
0xa: {  	[smem:$0x3FAA] =	sst s2  }
0xb: {  	[smem:$0x3FAB] =	sst s3  }
0xc: {  	[smem:$0x3FAC] =	sst s4  }
0xd: {  	[smem:$0x3FAD] =	sst s5  }
0xe: {  	[smem:$0x3FAE] =	sst s6  }
0xf: {  	[smem:$0x3FAF] =	sst s7  }
0x10: {  	[smem:$0x3FB0] =	sst s8  }
0x11: {  	[smem:$0x3FB1] =	sst s9;
	s0 =	simm.s32 @!p0 $0x0  }
0x12: {  	s1 =	sld [smem:$0x3F97];
	s0 =	simm.s32 @p0 $0x1  }
0x13: {  	[smem:$0x3FB2] =	sst s0;
	s0 =	simm.s32 @!p1 $0x0  }
0x14: {  	s2 =	sld [smem:$0x3F96];
	s0 =	simm.s32 @p1 $0x1  }
0x15: {  	[smem:$0x3FB3] =	sst s0;
	s0 =	simm.s32 @!p2 $0x0  }
0x16: {  	s3 =	sld [smem:$0x3FDB];
	s0 =	simm.s32 @p2 $0x1  }
0x17: {  	s4 =	simm.s32 $0x1BF5;
	[smem:$0x3FB5] =	sst s0  }
0x18: {  	s0 =	sld [smem:$0x3F98];
	_ =	swait.ge [sflag:s4], $0x0  }
0x19: {  	s7 =	sld [smem:$0x3F99]  }
0x1a: {  	s8 =	sadd.s32 $0xFFFFE003, lr  }
0x1b: {  	s9 =	sadd.s32 $0xFFFFFEF7, lr;
	s5 =	simm.s32 $0xFFFFFFFF;
	p2 =	slt.u32 s8, $0xFFFFF086  }
0x1c: {  	p1 =	slt.u32 s9, $0xF7A;
	s5 =	simm.s32 @!p2 $0x0  }
0x1d: {  	s5 =	simm.s32 @p1 $0x1;
	p0 =	seq.s32 s7, s2  }
0x1e: {  	s7 =	smul.u32 @!p0 $0xF7A, s2;
	p2 =	seq.s32 @!p0 s5, $0x0  }
0x1f: {  	s9 =	smul.u32 $0xF7A, s1;
	s8 =	simm.s32 @!p0 $0x1BF5;
	p2 =	por !p2, p0  }
0x20: {  	[sflag:s8] =	ssyncset.s32 @!p0 $0xFFFFF086;
	s6 =	sadd.s32 @!p0 s3, s7;
	s7 =	simm.s32 @!p0 $0x108  }
0x21: {  	s3 =	sadd.s32 s3, s9;
	s6 =	sadd.s32 @!p0 $0x88, s6;
	s7 =	simm.s32 @p2 $0x1082  }
0x22: {  	[simem:s7], [sflag:s8] =	dma.local @!p0 [hbm:s6], $0xF7A  }
0x23: {  	s9 =	sor.u32 $0xD0000000, s2;
	s6 =	simm.s32 $0x108;
	_ =	swait.ge @!p0 [sflag:s8], $0x0  }
0x24: {  	s3 =	sadd.s32 $0x88, s3;
	s6 =	simm.s32 @!p1 $0x1082;
	[sflag:s4] =	ssyncset.s32 $0xFFFFF086  }
0x25: {  	[simem:s6], [sflag:s4] =	dma.local [hbm:s3], $0xF7A  }
0x26: {  	[smem:$0x3F99] =	sst s1;
	(tag) =	ssettag s2;
	_ =	strace s9  }
0x27: {  	s1 =	sld [smem:$0x3FA9]  }
0x28: {  	s2 =	sld [smem:$0x3FAA]  }
0x29: {  	s4 =	sld [smem:$0x3FAC]  }
0x2a: {  	p0 =	seq.s32 s5, $0x0;
	s5 =	sld [smem:$0x3FAD]  }
0x2b: {  	s6 =	sld [smem:$0x3FAE]  }
0x2c: {  	s7 =	sld [smem:$0x3FAF]  }
0x2d: {  	s3 =	simm.s32 $0x108;
	s8 =	sld [smem:$0x3FB0]  }
0x2e: {  	s3 =	simm.s32 @!p0 $0x1082;
	s9 =	sld [smem:$0x3FB1]  }
0x2f: {  	lr =	sadd.s32 s0, s3;
	s0 =	sld [smem:$0x3FA8]  }
0x30: {  	s3 =	sld [smem:$0x3FAB]  }
0x31: {  	[smem:$0x3FB4] =	sst s10  }
0x32: {  	s10 =	sld [smem:$0x3FB2];
	_ =	sdelay $0x3  }
0x33: {  	p0 =	seq.s32 s10, $0x1;
	s10 =	sld [smem:$0x3FB4];
	_ =	sdelay $0x3  }
0x34: {  	[smem:$0x3FB4] =	sst s10  }
0x35: {  	s10 =	sld [smem:$0x3FB3];
	_ =	sdelay $0x3  }
0x36: {  	p1 =	seq.s32 s10, $0x1;
	s10 =	sld [smem:$0x3FB4];
	_ =	sdelay $0x3  }
0x37: {  	[smem:$0x3FB4] =	sst s10  }
0x38: {  	s10 =	sld [smem:$0x3FB5]  }
0x39: {  	_ = 	snop;
	(pc) =	sbr.ind lr, $3  }
0x3a: {  	_ = 	snop  }
0x3b: {  	_ = 	snop  }
0x3c: {  	p2 =	seq.s32 s10, $0x1;
	s10 =	sld [smem:$0x3FB4]  }
0x3d: {  	_ =	shalt  }
0x3e: {  	_ =	shalt  }
0x3f: {  	_ =	shalt  }
0x40: {  	_ =	shalt  }
0x41: {  	_ =	shalt  }
0x42: {  	_ =	shalt  }
0x43: {  	_ =	shalt  }
0x44: {  	_ =	shalt  }
0x45: {  	_ =	shalt  }
0x46: {  	_ =	shalt  }
0x47: {  	_ =	shalt  }
0x48: {  	_ =	shalt  }
0x49: {  	_ =	shalt  }
0x4a: {  	_ =	shalt  }
0x4b: {  	_ =	shalt  }
0x4c: {  	_ =	shalt  }
0x4d: {  	_ =	shalt  }
0x4e: {  	_ =	shalt  }
0x4f: {  	_ =	shalt  }
0x50: {  	_ =	shalt  }
0x51: {  	_ =	shalt  }
0x52: {  	_ =	shalt  }
0x53: {  	_ =	shalt  }
0x54: {  	_ =	shalt  }
0x55: {  	_ =	shalt  }
0x56: {  	_ =	shalt  }
0x57: {  	_ =	shalt  }
0x58: {  	_ =	shalt  }
0x59: {  	_ =	shalt  }
0x5a: {  	_ =	shalt  }
0x5b: {  	_ =	shalt  }
0x5c: {  	_ =	shalt  }
0x5d: {  	_ =	shalt  }
0x5e: {  	_ =	shalt  }
0x5f: {  	_ =	shalt  }
0x60: {  	_ =	shalt  }
0x61: {  	_ =	shalt  }
0x62: {  	_ =	shalt  }
0x63: {  	_ =	shalt  }
0x64: {  	_ =	shalt  }
0x65: {  	_ =	shalt  }
0x66: {  	_ =	shalt  }
0x67: {  	_ =	shalt  }
0x68: {  	_ =	shalt  }
0x69: {  	_ =	shalt  }
0x6a: {  	_ =	shalt  }
0x6b: {  	_ =	shalt  }
0x6c: {  	_ =	shalt  }
0x6d: {  	_ =	shalt  }
0x6e: {  	_ =	shalt  }
0x6f: {  	_ =	shalt  }
0x70: {  	_ =	shalt  }
0x71: {  	_ =	shalt  }
0x72: {  	_ =	shalt  }
0x73: {  	_ =	shalt  }
0x74: {  	_ =	shalt  }
0x75: {  	_ =	shalt  }
0x76: {  	_ =	shalt  }
0x77: {  	_ =	shalt  }
0x78: {  	_ =	shalt  }
0x79: {  	_ =	shalt  }
0x7a: {  	_ =	shalt  }
0x7b: {  	_ =	shalt  }
0x7c: {  	_ =	shalt  }
0x7d: {  	_ =	shalt  }
0x7e: {  	_ =	shalt  }
0x7f: {  	_ =	shalt  }
0x80: {  	_ =	shalt  }
0x81: {  	_ =	shalt  }
0x82: {  	_ =	shalt  }
0x83: {  	_ =	shalt  }
0x84: {  	_ =	shalt  }
0x85: {  	_ =	shalt  }
0x86: {  	_ =	shalt  }
0x87: {  	_ =	shalt  }
.Lfunc_end0:
.L_simem_size_0:
called_computation_lowered:
.L_overlay_start_0:
0x88: {  	s2 =	sld [smem:$0x3FD9]  }
0x89: {  	s3 =	sld [smem:$0x3FFE];
	_ =	sdelay $0x1  }
0x8a: {  	s1 =	srdreg.scid  }
0x8b: {  	s0 =	sand.u32 $0x1, s1  }
0x8c: {  	s17 =	sshll.u32 s0, $0xA;
	s2 =	sadd.s32 s3, s2  }
0x8d: {  	s2 =	sadd.s32 s2, s17  }
0x8e: {  	[smem:$0x3FC0] =	sst s2  }
0x8f: {  	_ = 	snop  }
0x90: {  	s2 =	sld [smem:$0x3FD0];
	(tm) =	ssettm $0x1  }
0x91: {  	s18 =	sld [smem:$0x3FFB];
	_ =	sdelay $0x3  }
0x92: {  	_ =	strace s18  }
0x93: {  	s3 =	sld [smem:$0x3FFC];
	_ =	sdelay $0x3  }
0x94: {  	_ =	strace s3  }
0x95: {  	s3 =	sld [smem:$0x3FFD];
	_ =	sdelay $0x3  }
0x96: {  	_ =	strace s3  }
0x97: {  	_ =	strace $0x8FFFFFFF  }
0x98: {  	s19 =	sld [smem:$0x3FDB];
	_ =	sdelay $0x1  }
0x99: {  	s4 =	simm.s32 $_scs_section_size  }
0x9a: {  	s5 =	simm.s32 $_size__tile_overlayer_lowered;
	s6 =	simm.s32 $_tile_overlayer_lowered  }
0x9b: {  	s22 =	simm.s32 $0x1BFF;
	s21 =	sshll.u32 s6, $0x1;
	s3 =	sadd.s32 s4, s19  }
0x9c: {  	s7 =	simm.s32 $0x0;
	s20 =	sshll.u32 s5, $0x1;
	s5 =	sadd.s32 s21, s3  }
0x9d: {  	[timem:s7], [sflag:s22] =	dma.local [hbm:s5], s20  }
0x9e: {  	_ =	swait.ge [sflag:s22], s20  }
0x9f: {  	s4 =	ssub.s32 $0x0, s20;
	[sflag:s22] =	ssyncset.done $0x0  }
0xa0: {  	[sflag:s22] =	ssyncadd.s32 s4;
	_ =	sdelay $0x1  }
0xa1: {  	s23 =	simm.s32 $0x1B8B  }
0xa2: {  	_ =	swait.ge [sflag:s23], $0x1  }
0xa3: {  	[sflag:s23] =	ssyncset.done $0x0  }
0xa4: {  	s25 =	simm.s32 $0x1B8E;
	s24 =	sld [smem:$0x3FFE];
	[sflag:s23] =	ssyncadd.s32 $0xFFFFFFFF  }
0xa5: {  	s26 =	simm.s32 $execute0_lowered;
	[smem:$0x3FD2] =	sst s25  }
0xa6: {  	s5 =	sshll.u32 s26, $0x1;
	_ =	strace $0x80000046;
	[dreg:$0x1] =	wrdreg $0xFFFFFFFF  }
0xa7: {  	s28 =	simm.s32 $_size_execute0_lowered;
	s3 =	sadd.s32 s3, s5;
	[dreg:$0x0] =	wrdreg $0x0  }
0xa8: {  	s5 =	sshll.u32 s28, $0x1;
	[dreg:$0x2] =	wrdreg s3  }
0xa9: {  	[dreg:$0x3] =	wrdreg s5  }
0xaa: {  	[dreg:$0x4] =	wrdreg $0xC0  }
0xab: {  	_ =	task [dreg:s7], $0x5FFFF  }
0xac: {  	[dreg:$0x1] =	wrdreg $0xFFFFFFFF  }
0xad: {  	[dreg:$0x0] =	wrdreg $0x60  }
0xae: {  	[dreg:$0x2] =	wrdreg s2  }
0xaf: {  	[dreg:$0x3] =	wrdreg s24  }
0xb0: {  	[dreg:$0x4] =	wrdreg $0xE0000  }
0xb1: {  	[dreg:$0x5] =	wrdreg $0x188000  }
0xb2: {  	[dreg:$0x6] =	wrdreg $0x9  }
0xb3: {  	_ =	task.clear_ibuf [dreg:s7], $0x7FFFF;
	_ =	strace $0x90000046  }
0xb4: {  	s29 =	simm.s32 $0x9;
	_ =	strace $0x80000048  }
0xb5: {  	_ =	swait.ge [sflag:s29], $0x1  }
0xb6: {  	[sflag:s29] =	ssyncadd.s32 $0xFFFFFFFF  }
0xb7: {  	_ =	strace $0x90000048  }
0xb8: {  	_ =	sfence  }
0xb9: {  	s30 =	sld [smem:$0x0];
	_ =	sdelay $0x2  }
0xba: {  	s31 =	sshll.u32 s1, $0xD;
	s1 =	sshrl.u32 s1, $0x2  }
0xbb: {  	s3 =	sand.u32 $0x4000, s31;
	s1 =	sadd.s32 s1, s30  }
0xbc: {  	s0 =	sor.u32 s3, s0;
	s1 =	sshll.u32 s1, $0x11  }
0xbd: {  	s0 =	sor.u32 s1, s0  }
0xbe: {  	s0 =	sadd.s32 $0x8F2B, s0  }
0xbf: {  	[sflag:s0] =	ssyncadd.remote.s32 $0x1  }
0xc0: {  	_ =	sfence.sel $0xFFFF  }
0xc1: {  	[dreg:$0x0] =	wrdreg $0xFFFFFFFF;
	(pc) =	sbr.abs _section_cstart, $3  }
0xc2: {  	[dreg:$0x1] =	wrdreg $0xFFFFFFFF  }
0xc3: {  	_ =	task.clear_ibuf [dreg:s7], $0x2FFFF;
	_ =	strace $0x9FFFFFFF  }
0xc4: {  	(tm) =	ssettm $0x7FFFFFFF  }
0xc5: {  	_ =	shalt  }
tec
execute0_lowered:
.L_overlay_start_1:
0x0: {  	(tag) =	ssettag $0x1  }
0x1: {  	s1 =	rddreg [dreg:$0x0]  }
0x2: {  	s0 =	rddreg [dreg:$0x1]  }
0x3: {  	s3 =	rddreg [dreg:$0x2]  }
0x4: {  	s4 =	rddreg [dreg:$0x3]  }
0x5: {  	s5 =	simm.s32 $0x0;
	s15 =	stileid.u32;
	s8 =	srdreg.scid  }
0x6: {  	s21 =	simm.s32 $0x4;
	s28 =	simm.s32 $0x1;
	s29 =	simm.s32 $0xC000  }
0x7: {  	s30 =	simm.s32 $0x2;
	s18 =	simm.s32 $0x9F80;
	s2 =	smul.u32 $0xA000, s15  }
0x8: {  	s31 =	simm.s32 $0x3;
	[smem:$0x7FF] =	sst s5;
	s7 =	smul.u32 $0x2800, s15  }
0x9: {  	s6 =	sadd.s32 $0x2A00, s0;
	s9 =	smul.u32 $0xA00, s15;
	s8 =	sand.u32 $0x1, s8  }
0xa: {  	s13 =	sadd.s32 $0x43400, s0;
	s14 =	sadd.s32 $0x4D600, s0;
	s16 =	sadd.s32 $0x61600, s0  }
0xb: {  	s25 =	sshll.u32 s15, $0x6;
	_ =	strace $0x80000047;
	[dreg:$0x6] =	wrdreg s13  }
0xc: {  	s15 =	simm.s32 $0x5080;
	s11 =	smul.u32 $0x28000, s8;
	[dreg:$0x7] =	wrdreg s14  }
0xd: {  	s22 =	ssub.s32 $0x2, s8;
	[dreg:$0x8] =	wrdreg s16;
	s13 =	smul.u32 $0x50, s8  }
0xe: {  	p0 =	sne.s32 s8, $0x0;
	s16 =	simm.s32 $0x9F00;
	s12 =	sshrl.u32 s2, $0x3  }
0xf: {  	s10 =	sshrl.u32 s7, $0x3;
	s9 =	sadd.s32 s9, s0;
	s23 =	sshrl.u32 s22, $0x1  }
0x10: {  	s2 =	sadd.s32 s2, s3;
	[dreg:$0x5] =	wrdreg s12;
	s12 =	sadd.s32 s12, s0  }
0x11: {  	s10 =	sadd.s32 s10, s0;
	s11 =	sadd.s32 s7, s11;
	s24 =	ssub.s32 s22, s23  }
0x12: {  	s7 =	sadd.s32 s7, s4;
	s26 =	sadd.s32 $0x20400, s9;
	s9 =	sadd.s32 $0x16400, s9  }
0x13: {  	s17 =	sadd.s32 $0x50, s13;
	s20 =	sshrl.u32 s2, $0x3;
	s23 =	simm.s32 $0x18000  }
0x14: {  	s2 =	simm.s32 $0x0;
	s11 =	sshrl.u32 s11, $0x3;
	s12 =	sadd.s32 $0x2A400, s12  }
.Ltmp0:
0x15: {  	s10 =	sadd.s32 $0x3E400, s10;
	[dreg:$0xb] =	wrdreg s26;
	(pc) =	sbr.rel .LBB2_1-.Ltmp0, $4  }
0x16: {  	[dreg:$0xc] =	wrdreg s9;
	s19 =	smax.u32 s24, $0x1;
	s22 =	sshrl.u32 s7, $0x3  }
0x17: {  	s24 =	simm.s32 $0x5000;
	s0 =	sadd.s32 s11, s0;
	[dreg:$0x9] =	wrdreg s12  }
0x18: {  	s26 =	simm.s32 $0xA000;
	[dreg:$0xa] =	wrdreg s10;
	s0 =	sadd.s32 $0x43600, s0  }
0x19: {  	s12 =	sor.u32 $0x1C04, s25;
	s25 =	simm.s32 $0x80;
	[dreg:$0xd] =	wrdreg s0  }
.LBB2_7:
0x1a: {  	[sflag:s8] =	ssyncadd.s32 @!p1 $0xFFFFF800  }
0x1b: {  	[spmem:s4] =	stream.indirect.scatter.add.f32 @!p3 [tilespmem:s11], [sflag:$0x3], $0x10, s10, s7, $0xb8;
	[tilespmem:$0x1B000] =	vst v63  }
0x1c: {  	_ =	swait.ge [sflag:s28], $0x2000  }
0x1d: {  	[sflag:s28] =	ssyncset.done $0x0  }
0x1e: {  	[sflag:s28] =	ssyncadd.s32 $0xFFFFE000  }
0x1f: {  	_ =	swait.ge [sflag:s30], $0x2000  }
0x20: {  	[sflag:s30] =	ssyncset.done $0x0  }
0x21: {  	s0 =	simm.s32 $0x4F80;
	[sflag:s30] =	ssyncadd.s32 $0xFFFFE000  }
0x22: {  	[tilespmem:s29], [sflag:$0x1] =	stream.indirect.gather [hbm4b:s6+s25], $0x40, s0, s25, $0xb8;
	[tilespmem:$0x1B000] =	vst v63  }
0x23: {  	s11 =	simm.s32 $0x9F00  }
0x24: {  	[spmem:s3] =	stream.indirect.scatter.add.f32 [tilespmem:s26], [sflag:$0x2], $0x40, s11, s25, $0xb8;
	[tilespmem:$0x1B000] =	vst v63  }
0x25: {  	_ =	swait.ge [sflag:s31], $0x800  }
0x26: {  	[sflag:s31] =	ssyncset.done $0x0  }
0x27: {  	[sflag:s31] =	ssyncadd.s32 $0xFFFFF800  }
0x28: {  	[spmem:s4] =	stream.indirect.scatter.add.f32 [tilespmem:s23], [sflag:$0x3], $0x10, s11, s25, $0xb8;
	[tilespmem:$0x1B000] =	vst v63  }
0x29: {  	_ =	swait.ge [sflag:s28], $0x2000  }
0x2a: {  	[sflag:s28] =	ssyncset.done $0x0  }
0x2b: {  	[sflag:s28] =	ssyncadd.s32 $0xFFFFE000  }
0x2c: {  	_ =	swait.ge [sflag:s30], $0x2000  }
0x2d: {  	[sflag:s30] =	ssyncset.done $0x0  }
0x2e: {  	s14 =	simm.s32 $0x9F80;
	[sflag:s30] =	ssyncadd.s32 $0xFFFFE000  }
0x2f: {  	[spmem:s3] =	stream.indirect.scatter.add.f32 [tilespmem:s29], [sflag:$0x2], $0x40, s14, s25, $0xb8;
	[tilespmem:$0x1B000] =	vst v63  }
0x30: {  	_ =	swait.ge [sflag:s31], $0x800  }
0x31: {  	s16 =	simm.s32 $0x9F00;
	[sflag:s31] =	ssyncset.done $0x0  }
0x32: {  	s18 =	simm.s32 $0x9F80;
	s0 =	rddreg [dreg:$0x8];
	[sflag:s31] =	ssyncadd.s32 $0xFFFFF800  }
0x33: {  	[spmem:s4] =	stream.indirect.scatter.add.f32 [tilespmem:s23], [sflag:$0x3], $0x10, s14, s25, $0xb8;
	[tilespmem:$0x1B000] =	vst v63  }
.LBB2_8:
0x34: {  	_ =	swait.ge [sflag:s30], $0x2000  }
0x35: {  	[sflag:s30] =	ssyncset.done $0x0  }
0x36: {  	[sflag:s30] =	ssyncadd.s32 $0xFFFFE000  }
0x37: {  	_ =	swait.ge [sflag:s31], $0x800  }
0x38: {  	[sflag:s31] =	ssyncset.done $0x0  }
0x39: {  	s7 =	rddreg [dreg:$0x5];
	[sflag:s31] =	ssyncadd.s32 $0xFFFFF800  }
0x3a: {  	s0 =	sadd.s32 s0, s7;
	[bflag:$0x0] =	sbarrier.arrive $0xFFFF  }
0x3b: {  	[hbm:s0], [sflag:s12] =	dma.local [spmem:s20], $0x1400  }
0x3c: {  	s2 =	sadd.s32 $0x1, s2;
	_ =	swait.ge [sflag:s21], $0x1400  }
0x3d: {  	p1 =	sne.s32 s2, s19;
	[sflag:s21] =	ssyncset.done $0x0  }
.Ltmp1:
0x3e: {  	s14 =	rddreg [dreg:$0xd];
	[sflag:s21] =	ssyncadd.s32 $0xFFFFEC00;
	(pc) =	sbr.rel @!p1 .LBB2_9-.Ltmp1, $4  }
0x3f: {  	[hbm:s14], [sflag:s12] =	dma.local [spmem:s22], $0x500  }
0x40: {  	_ =	swait.ge [sflag:s21], $0x500  }
0x41: {  	[sflag:s21] =	ssyncset.done $0x0  }
0x42: {  	[sflag:s21] =	ssyncadd.s32 $0xFFFFFB00  }
.LBB2_1:
0x43: {  	s0 =	rddreg [dreg:$0x9]  }
0x44: {  	[spmem:s20], [sflag:s12] =	dma.local [hbm:s0], $0x1400  }
0x45: {  	_ =	swait.ge [sflag:s21], $0x1400  }
0x46: {  	[sflag:s21] =	ssyncset.done $0x0  }
0x47: {  	s9 =	rddreg [dreg:$0xa];
	[sflag:s21] =	ssyncadd.s32 $0xFFFFEC00  }
0x48: {  	[spmem:s22], [sflag:s12] =	dma.local [hbm:s9], $0x500  }
0x49: {  	_ =	swait.ge [sflag:s21], $0x500  }
0x4a: {  	[sflag:s21] =	ssyncset.done $0x0  }
0x4b: {  	s10 =	rddreg [dreg:$0x6];
	[sflag:s21] =	ssyncadd.s32 $0xFFFFFB00  }
0x4c: {  	[tilespmem:s23], [sflag:$0x4] =	stream.linear.gather [hbm4b:s10+s5], $0x800, $0x38;
	[tilespmem:$0x1B000] =	vst v63  }
0x4d: {  	_ =	swait.ge [sflag:s21], $0x800  }
0x4e: {  	[sflag:s21] =	ssyncset.done $0x0  }
0x4f: {  	s11 =	rddreg [dreg:$0xb];
	[sflag:s21] =	ssyncadd.s32 $0xFFFFF800  }
0x50: {  	[tilespmem:s5], [sflag:$0x4] =	stream.linear.gather [hbm4b:s11+s5], $0x5000, $0x38;
	[tilespmem:$0x1B000] =	vst v63  }
0x51: {  	_ =	swait.ge [sflag:s21], $0x5000  }
0x52: {  	[sflag:s21] =	ssyncset.done $0x0  }
0x53: {  	s14 =	rddreg [dreg:$0xc];
	[sflag:s21] =	ssyncadd.s32 $0xFFFFB000  }
0x54: {  	[tilespmem:s24], [sflag:$0x4] =	stream.linear.gather [hbm4b:s14+s5], $0x5000, $0x38;
	[tilespmem:$0x1B000] =	vst v63  }
.Ltmp2:
0x55: {  	_ =	swait.ge [sflag:s21], $0x5000;
	(pc) =	sbr.rel @p0 .LBB2_5-.Ltmp2, $4  }
0x56: {  	[sflag:s21] =	ssyncset.done $0x0  }
0x57: {  	[sflag:s21] =	ssyncadd.s32 $0xFFFFB000  }
0x58: {  	[bflag:$0x0] =	sbarrier.arrive $0xFFFF  }
0x59: {  	s0 =	simm.s32 $0x0  }
0x5a: {  	[tilespmem:s26], [sflag:$0x1] =	stream.indirect.gather [hbm4b:s1+s25], $0x40, s0, s25, $0xb8;
	[tilespmem:$0x1B000] =	vst v63  }
0x5b: {  	_ =	swait.ge [sflag:s28], $0x2000  }
0x5c: {  	[sflag:s28] =	ssyncset.done $0x0  }
0x5d: {  	[sflag:s28] =	ssyncadd.s32 $0xFFFFE000  }
0x5e: {  	[tilespmem:s29], [sflag:$0x1] =	stream.indirect.gather [hbm4b:s1+s25], $0x40, s25, s25, $0xb8;
	[tilespmem:$0x1B000] =	vst v63  }
0x5f: {  	_ = 	snop  }
0x60: {  	[spmem:s3] =	stream.indirect.scatter.add.f32 [tilespmem:s26], [sflag:$0x2], $0x40, s24, s25, $0xb8;
	[tilespmem:$0x1B000] =	vst v63  }
0x61: {  	_ = 	snop  }
0x62: {  	[spmem:s4] =	stream.indirect.scatter.add.f32 [tilespmem:s23], [sflag:$0x3], $0x10, s24, s25, $0xb8;
	[tilespmem:$0x1B000] =	vst v63  }
0x63: {  	_ =	swait.ge [sflag:s28], $0x2000  }
0x64: {  	[sflag:s28] =	ssyncset.done $0x0  }
0x65: {  	[sflag:s28] =	ssyncadd.s32 $0xFFFFE000  }
0x66: {  	_ =	swait.ge [sflag:s30], $0x2000  }
0x67: {  	[sflag:s30] =	ssyncset.done $0x0  }
0x68: {  	s10 =	simm.s32 $0x100;
	[sflag:s30] =	ssyncadd.s32 $0xFFFFE000  }
0x69: {  	[tilespmem:s26], [sflag:$0x1] =	stream.indirect.gather [hbm4b:s1+s25], $0x40, s10, s25, $0xb8;
	[tilespmem:$0x1B000] =	vst v63  }
0x6a: {  	s7 =	simm.s32 $0x5080;
	s0 =	simm.s32 $0x3  }
0x6b: {  	[spmem:s3] =	stream.indirect.scatter.add.f32 [tilespmem:s29], [sflag:$0x2], $0x40, s7, s25, $0xb8;
	[tilespmem:$0x1B000] =	vst v63  }
0x6c: {  	_ =	swait.ge [sflag:s0], $0x800  }
0x6d: {  	[sflag:s0] =	ssyncset.done $0x0  }
0x6e: {  	[sflag:s0] =	ssyncadd.s32 $0xFFFFF800  }
0x6f: {  	[spmem:s4] =	stream.indirect.scatter.add.f32 [tilespmem:s23], [sflag:$0x3], $0x10, s7, s25, $0xb8;
	[tilespmem:$0x1B000] =	vst v63  }
0x70: {  	_ =	swait.ge [sflag:s28], $0x2000  }
0x71: {  	[sflag:s28] =	ssyncset.done $0x0  }
0x72: {  	[sflag:s28] =	ssyncadd.s32 $0xFFFFE000  }
0x73: {  	p1 =	sge.u32 s13, $0x2;
	_ =	swait.ge [sflag:s30], $0x2000  }
0x74: {  	p2 =	sle.u32 @!p1 s17, $0x2;
	[sflag:s30] =	ssyncset.done $0x0  }
0x75: {  	s11 =	simm.s32 $0x180;
	p1 =	por p2, p1;
	[sflag:s30] =	ssyncadd.s32 $0xFFFFE000  }
0x76: {  	[tilespmem:s29], [sflag:$0x1] =	stream.indirect.gather [hbm4b:s1+s25], $0x40, s11, s25, $0xb8;
	[tilespmem:$0x1B000] =	vst v63  }
0x77: {  	s8 =	simm.s32 @!p1 $0x3;
	s7 =	simm.s32 $0x5100  }
0x78: {  	[spmem:s3] =	stream.indirect.scatter.add.f32 [tilespmem:s26], [sflag:$0x2], $0x40, s7, s25, $0xb8;
	[tilespmem:$0x1B000] =	vst v63  }
0x79: {  	_ =	swait.ge @!p1 [sflag:s8], $0x800  }
0x7a: {  	p2 =	sle.u32 s17, $0x2;
	[sflag:s8] =	ssyncset.done @!p1 $0x0  }
0x7b: {  	s9 =	simm.s32 @!p2 $0x18000;
	[sflag:s8] =	ssyncadd.s32 @!p1 $0xFFFFF800;
	s8 =	simm.s32 @!p2 $0x80  }
0x7c: {  	[spmem:s4] =	stream.indirect.scatter.add.f32 @!p2 [tilespmem:s9], [sflag:$0x3], $0x10, s7, s8, $0xb8;
	[tilespmem:$0x1B000] =	vst v63  }
0x7d: {  	_ =	swait.ge [sflag:s28], $0x2000  }
0x7e: {  	[sflag:s28] =	ssyncset.done $0x0  }
0x7f: {  	[sflag:s28] =	ssyncadd.s32 $0xFFFFE000  }
0x80: {  	_ =	swait.ge [sflag:s30], $0x2000  }
0x81: {  	[sflag:s30] =	ssyncset.done $0x0  }
0x82: {  	s15 =	simm.s32 $0x5080;
	s14 =	simm.s32 $0x200;
	[sflag:s30] =	ssyncadd.s32 $0xFFFFE000  }
0x83: {  	[tilespmem:s26], [sflag:$0x1] =	stream.indirect.gather [hbm4b:s1+s25], $0x40, s14, s25, $0xb8;
	[tilespmem:$0x1B000] =	vst v63  }
0x84: {  	s10 =	simm.s32 $0x5180;
	s9 =	simm.s32 $0x400;
	p2 =	sle.u32 s17, $0x3  }
0x85: {  	[spmem:s3] =	stream.indirect.scatter.add.f32 [tilespmem:s29], [sflag:$0x2], $0x40, s10, s25, $0xb8;
	[tilespmem:$0x1B000] =	vst v63  }
.LBB2_3:
0x86: {  	s7 =	simm.s32 @!p2 $0x3  }
0x87: {  	s0 =	sadd.s32 $0x2, s0;
	s8 =	smov.u32 s9;
	s9 =	sadd.s32 $0x400, s9  }
0x88: {  	p1 =	seq.s32 s9, $0x13800;
	_ =	swait.ge @!p2 [sflag:s7], $0x800  }
0x89: {  	s11 =	simm.s32 @!p2 $0x80;
	s14 =	simm.s32 @!p2 $0x18000;
	[sflag:s7] =	ssyncset.done @!p2 $0x0  }
0x8a: {  	[sflag:s7] =	ssyncadd.s32 @!p2 $0xFFFFF800  }
0x8b: {  	[spmem:s4] =	stream.indirect.scatter.add.f32 @!p2 [tilespmem:s14], [sflag:$0x3], $0x10, s10, s11, $0xb8;
	[tilespmem:$0x1B000] =	vst v63  }
0x8c: {  	_ =	swait.ge [sflag:s28], $0x2000  }
0x8d: {  	s8 =	sshra.s32 s8, $0x2;
	s7 =	sadd.s32 $0xFFFFFFFF, s0;
	[sflag:s28] =	ssyncset.done $0x0  }
0x8e: {  	s10 =	sadd.s32 $0x180, s8;
	p2 =	sle.u32 s7, s13;
	[sflag:s28] =	ssyncadd.s32 $0xFFFFE000  }
0x8f: {  	p3 =	sge.u32 @!p2 s7, s17;
	_ =	swait.ge [sflag:s30], $0x2000  }
0x90: {  	[sflag:s30] =	ssyncset.done $0x0  }
0x91: {  	p2 =	por p3, p2;
	[sflag:s30] =	ssyncadd.s32 $0xFFFFE000  }
0x92: {  	[tilespmem:s29], [sflag:$0x1] =	stream.indirect.gather [hbm4b:s1+s25], $0x40, s10, s25, $0xb8;
	[tilespmem:$0x1B000] =	vst v63  }
0x93: {  	s11 =	simm.s32 @!p2 $0x3;
	s10 =	sadd.s32 $0x5100, s8  }
0x94: {  	[spmem:s3] =	stream.indirect.scatter.add.f32 [tilespmem:s26], [sflag:$0x2], $0x40, s10, s25, $0xb8;
	[tilespmem:$0x1B000] =	vst v63  }
0x95: {  	_ =	swait.ge @!p2 [sflag:s11], $0x800  }
0x96: {  	p3 =	sge.u32 s7, s17;
	[sflag:s11] =	ssyncset.done @!p2 $0x0  }
0x97: {  	s7 =	simm.s32 @!p3 $0x80;
	[sflag:s11] =	ssyncadd.s32 @!p2 $0xFFFFF800;
	s11 =	simm.s32 @!p3 $0x18000  }
0x98: {  	[spmem:s4] =	stream.indirect.scatter.add.f32 @!p3 [tilespmem:s11], [sflag:$0x3], $0x10, s10, s7, $0xb8;
	[tilespmem:$0x1B000] =	vst v63  }
0x99: {  	_ =	swait.ge [sflag:s28], $0x2000  }
0x9a: {  	[sflag:s28] =	ssyncset.done $0x0  }
0x9b: {  	[sflag:s28] =	ssyncadd.s32 $0xFFFFE000  }
0x9c: {  	_ =	swait.ge [sflag:s30], $0x2000  }
.Ltmp3:
0x9d: {  	[sflag:s30] =	ssyncset.done $0x0;
	(pc) =	sbr.rel @!p1 .LBB2_3-.Ltmp3, $4  }
0x9e: {  	s7 =	sadd.s32 $0x200, s8;
	[sflag:s30] =	ssyncadd.s32 $0xFFFFE000  }
0x9f: {  	[tilespmem:s26], [sflag:$0x1] =	stream.indirect.gather [hbm4b:s1+s25], $0x40, s7, s25, $0xb8;
	[tilespmem:$0x1B000] =	vst v63  }
0xa0: {  	p2 =	sge.u32 s0, s17;
	s10 =	sadd.s32 $0x5180, s8  }
0xa1: {  	[spmem:s3] =	stream.indirect.scatter.add.f32 [tilespmem:s29], [sflag:$0x2], $0x40, s10, s25, $0xb8;
	[tilespmem:$0x1B000] =	vst v63  }
0xa2: {  	s0 =	simm.s32 @!p2 $0x3  }
0xa3: {  	_ =	swait.ge @!p2 [sflag:s0], $0x800  }
0xa4: {  	[sflag:s0] =	ssyncset.done @!p2 $0x0  }
0xa5: {  	s7 =	simm.s32 @!p2 $0x80;
	s8 =	simm.s32 @!p2 $0x18000;
	[sflag:s0] =	ssyncadd.s32 @!p2 $0xFFFFF800  }
0xa6: {  	[spmem:s4] =	stream.indirect.scatter.add.f32 @!p2 [tilespmem:s8], [sflag:$0x3], $0x10, s10, s7, $0xb8;
	[tilespmem:$0x1B000] =	vst v63  }
0xa7: {  	_ =	swait.ge [sflag:s28], $0x2000  }
0xa8: {  	[sflag:s28] =	ssyncset.done $0x0  }
0xa9: {  	[sflag:s28] =	ssyncadd.s32 $0xFFFFE000  }
0xaa: {  	_ =	swait.ge [sflag:s30], $0x2000  }
0xab: {  	[sflag:s30] =	ssyncset.done $0x0  }
0xac: {  	s14 =	simm.s32 $0x4F80;
	[sflag:s30] =	ssyncadd.s32 $0xFFFFE000  }
0xad: {  	[tilespmem:s29], [sflag:$0x1] =	stream.indirect.gather [hbm4b:s1+s25], $0x40, s14, s25, $0xb8;
	[tilespmem:$0x1B000] =	vst v63  }
0xae: {  	_ = 	snop  }
0xaf: {  	[spmem:s3] =	stream.indirect.scatter.add.f32 [tilespmem:s26], [sflag:$0x2], $0x40, s16, s25, $0xb8;
	[tilespmem:$0x1B000] =	vst v63  }
0xb0: {  	_ =	swait.ge [sflag:s28], $0x2000  }
0xb1: {  	[sflag:s28] =	ssyncset.done $0x0  }
.Ltmp4:
0xb2: {  	[sflag:s28] =	ssyncadd.s32 $0xFFFFE000;
	(pc) =	sbr.rel .LBB2_8-.Ltmp4, $4  }
0xb3: {  	_ =	swait.ge [sflag:s30], $0x2000  }
0xb4: {  	[sflag:s30] =	ssyncset.done $0x0  }
0xb5: {  	s0 =	rddreg [dreg:$0x7];
	[sflag:s30] =	ssyncadd.s32 $0xFFFFE000  }
0xb6: {  	[spmem:s3] =	stream.indirect.scatter.add.f32 [tilespmem:s29], [sflag:$0x2], $0x40, s18, s25, $0xb8;
	[tilespmem:$0x1B000] =	vst v63  }
.LBB2_5:
0xb7: {  	[tilespmem:s26], [sflag:$0x1] =	stream.indirect.gather [hbm4b:s6+s25], $0x40, s0, s25, $0xb8;
	[tilespmem:$0x1B000] =	vst v63  }
0xb8: {  	_ =	swait.ge [sflag:s28], $0x2000  }
0xb9: {  	[sflag:s28] =	ssyncset.done $0x0  }
0xba: {  	[sflag:s28] =	ssyncadd.s32 $0xFFFFE000  }
0xbb: {  	[tilespmem:s29], [sflag:$0x1] =	stream.indirect.gather [hbm4b:s6+s25], $0x40, s25, s25, $0xb8;
	[tilespmem:$0x1B000] =	vst v63  }
0xbc: {  	_ = 	snop  }
0xbd: {  	[spmem:s3] =	stream.indirect.scatter.add.f32 [tilespmem:s26], [sflag:$0x2], $0x40, s24, s25, $0xb8;
	[tilespmem:$0x1B000] =	vst v63  }
0xbe: {  	_ =	swait.ge [sflag:s28], $0x2000  }
0xbf: {  	[sflag:s28] =	ssyncset.done $0x0  }
0xc0: {  	[sflag:s28] =	ssyncadd.s32 $0xFFFFE000  }
0xc1: {  	_ =	swait.ge [sflag:s30], $0x2000  }
0xc2: {  	[sflag:s30] =	ssyncset.done $0x0  }
0xc3: {  	s14 =	simm.s32 $0x100;
	[sflag:s30] =	ssyncadd.s32 $0xFFFFE000  }
0xc4: {  	[tilespmem:s26], [sflag:$0x1] =	stream.indirect.gather [hbm4b:s6+s25], $0x40, s14, s25, $0xb8;
	[tilespmem:$0x1B000] =	vst v63  }
0xc5: {  	_ = 	snop  }
0xc6: {  	[spmem:s3] =	stream.indirect.scatter.add.f32 [tilespmem:s29], [sflag:$0x2], $0x40, s15, s25, $0xb8;
	[tilespmem:$0x1B000] =	vst v63  }
0xc7: {  	_ =	swait.ge [sflag:s28], $0x2000  }
0xc8: {  	[sflag:s28] =	ssyncset.done $0x0  }
0xc9: {  	[sflag:s28] =	ssyncadd.s32 $0xFFFFE000  }
0xca: {  	_ =	swait.ge [sflag:s30], $0x2000  }
0xcb: {  	[sflag:s30] =	ssyncset.done $0x0  }
0xcc: {  	s16 =	simm.s32 $0x180;
	p2 =	sge.u32 s13, $0x2;
	[sflag:s30] =	ssyncadd.s32 $0xFFFFE000  }
0xcd: {  	[tilespmem:s29], [sflag:$0x1] =	stream.indirect.gather [hbm4b:s6+s25], $0x40, s16, s25, $0xb8;
	[tilespmem:$0x1B000] =	vst v63  }
0xce: {  	s0 =	simm.s32 $0x5100;
	s7 =	simm.s32 @!p2 $0x3  }
0xcf: {  	[spmem:s3] =	stream.indirect.scatter.add.f32 [tilespmem:s26], [sflag:$0x2], $0x40, s0, s25, $0xb8;
	[tilespmem:$0x1B000] =	vst v63  }
0xd0: {  	_ =	swait.ge @!p2 [sflag:s7], $0x800  }
0xd1: {  	p1 =	sgt.u32 s13, $0x2;
	[sflag:s7] =	ssyncset.done @!p2 $0x0  }
0xd2: {  	s8 =	simm.s32 @!p1 $0x80;
	s9 =	simm.s32 @!p1 $0x18000;
	[sflag:s7] =	ssyncadd.s32 @!p2 $0xFFFFF800  }
0xd3: {  	[spmem:s4] =	stream.indirect.scatter.add.f32 @!p1 [tilespmem:s9], [sflag:$0x3], $0x10, s0, s8, $0xb8;
	[tilespmem:$0x1B000] =	vst v63  }
0xd4: {  	_ =	swait.ge [sflag:s28], $0x2000  }
0xd5: {  	[sflag:s28] =	ssyncset.done $0x0  }
0xd6: {  	[sflag:s28] =	ssyncadd.s32 $0xFFFFE000  }
0xd7: {  	_ =	swait.ge [sflag:s30], $0x2000  }
0xd8: {  	[sflag:s30] =	ssyncset.done $0x0  }
0xd9: {  	s18 =	simm.s32 $0x200;
	[sflag:s30] =	ssyncadd.s32 $0xFFFFE000  }
0xda: {  	[tilespmem:s26], [sflag:$0x1] =	stream.indirect.gather [hbm4b:s6+s25], $0x40, s18, s25, $0xb8;
	[tilespmem:$0x1B000] =	vst v63  }
0xdb: {  	s10 =	simm.s32 $0x5180;
	p3 =	sgt.u32 s13, $0x3;
	s8 =	simm.s32 @!p1 $0x3  }
0xdc: {  	[spmem:s3] =	stream.indirect.scatter.add.f32 [tilespmem:s29], [sflag:$0x2], $0x40, s10, s25, $0xb8;
	[tilespmem:$0x1B000] =	vst v63  }
0xdd: {  	s11 =	simm.s32 @!p3 $0x18000;
	s7 =	simm.s32 @!p3 $0x80;
	_ =	swait.ge @!p1 [sflag:s8], $0x800  }
0xde: {  	s0 =	simm.s32 $0x3;
	s9 =	simm.s32 $0x400;
	[sflag:s8] =	ssyncset.done @!p1 $0x0  }
.LBB2_6:
0xdf: {  	[sflag:s8] =	ssyncadd.s32 @!p1 $0xFFFFF800  }
0xe0: {  	s0 =	sadd.s32 $0x2, s0;
	s8 =	smov.u32 s9;
	s9 =	sadd.s32 $0x400, s9  }
0xe1: {  	[spmem:s4] =	stream.indirect.scatter.add.f32 @!p3 [tilespmem:s11], [sflag:$0x3], $0x10, s10, s7, $0xb8;
	[tilespmem:$0x1B000] =	vst v63  }
0xe2: {  	p2 =	seq.s32 s9, $0x13800;
	_ =	swait.ge [sflag:s28], $0x2000  }
0xe3: {  	[sflag:s28] =	ssyncset.done $0x0  }
0xe4: {  	[sflag:s28] =	ssyncadd.s32 $0xFFFFE000  }
0xe5: {  	_ =	swait.ge [sflag:s30], $0x2000  }
0xe6: {  	s7 =	sshra.s32 s8, $0x2;
	[sflag:s30] =	ssyncset.done $0x0  }
0xe7: {  	s8 =	sadd.s32 $0xFFFFFFFF, s0;
	s10 =	sadd.s32 $0x180, s7;
	[sflag:s30] =	ssyncadd.s32 $0xFFFFE000  }
0xe8: {  	[tilespmem:s29], [sflag:$0x1] =	stream.indirect.gather [hbm4b:s6+s25], $0x40, s10, s25, $0xb8;
	[tilespmem:$0x1B000] =	vst v63  }
0xe9: {  	p3 =	sle.u32 s8, s13;
	s10 =	sadd.s32 $0x5100, s7  }
0xea: {  	[spmem:s3] =	stream.indirect.scatter.add.f32 [tilespmem:s26], [sflag:$0x2], $0x40, s10, s25, $0xb8;
	[tilespmem:$0x1B000] =	vst v63  }
0xeb: {  	s11 =	simm.s32 @!p3 $0x3  }
0xec: {  	p1 =	slt.u32 s8, s13;
	_ =	swait.ge @!p3 [sflag:s11], $0x800  }
0xed: {  	s8 =	simm.s32 @!p1 $0x80;
	s14 =	simm.s32 @!p1 $0x18000;
	[sflag:s11] =	ssyncset.done @!p3 $0x0  }
0xee: {  	[sflag:s11] =	ssyncadd.s32 @!p3 $0xFFFFF800  }
0xef: {  	[spmem:s4] =	stream.indirect.scatter.add.f32 @!p1 [tilespmem:s14], [sflag:$0x3], $0x10, s10, s8, $0xb8;
	[tilespmem:$0x1B000] =	vst v63  }
0xf0: {  	_ =	swait.ge [sflag:s28], $0x2000  }
0xf1: {  	[sflag:s28] =	ssyncset.done $0x0  }
0xf2: {  	[sflag:s28] =	ssyncadd.s32 $0xFFFFE000  }
0xf3: {  	_ =	swait.ge [sflag:s30], $0x2000  }
0xf4: {  	s8 =	sadd.s32 $0x200, s7;
	[sflag:s30] =	ssyncset.done $0x0  }
0xf5: {  	s10 =	sadd.s32 $0x5180, s7;
	[sflag:s30] =	ssyncadd.s32 $0xFFFFE000  }
0xf6: {  	[tilespmem:s26], [sflag:$0x1] =	stream.indirect.gather [hbm4b:s6+s25], $0x40, s8, s25, $0xb8;
	[tilespmem:$0x1B000] =	vst v63  }
.Ltmp5:
0xf7: {  	_ = 	snop;
	(pc) =	sbr.rel @!p2 .LBB2_6-.Ltmp5, $4  }
0xf8: {  	s8 =	simm.s32 @!p1 $0x3  }
0xf9: {  	[spmem:s3] =	stream.indirect.scatter.add.f32 [tilespmem:s29], [sflag:$0x2], $0x40, s10, s25, $0xb8;
	[tilespmem:$0x1B000] =	vst v63  }
0xfa: {  	p3 =	slt.u32 s0, s13;
	_ =	swait.ge @!p1 [sflag:s8], $0x800  }
0xfb: {  	s7 =	simm.s32 @!p3 $0x80;
	s11 =	simm.s32 @!p3 $0x18000;
	[sflag:s8] =	ssyncset.done @!p1 $0x0  }
.Ltmp6:
0xfc: {  	_ = 	snop;
	(pc) =	sbr.rel .LBB2_7-.Ltmp6, $1  }
0xfd: {  	_ =	sdelay $0x3  }
.LBB2_9:
0xfe: {  	_ =	sfence.sel $0x180000  }
0xff: {  	[bflag:$0x0] =	sbarrier.arrive $0xFFFF  }
0x100: {  	_ =	strace $0x90000047  }
0x101: {  	s0 =	stileid.u32;
	[bflag:$0x2] =	sbarrier.arrive $0xFFFF  }
0x102: {  	p0 =	sne.s32 s0, $0x0;
	s0 =	rddreg [dreg:$0x4]  }
0x103: {  	s0 =	sadd.s32 @!p0 $0x100000, s0  }
0x104: {  	[sflag:s0] =	ssyncadd.tile.s32 @!p0 $0x1;
	_ =	shalt  }
.Lfunc_end2:
_tile_overlayer_lowered:
.L_overlay_start_2:
0x105: {  	(tag) =	ssettag $0x2  }
0x106: {  	s0 =	rddreg [dreg:$0x0];
	s2 =	stileid.u32  }
0x107: {  	s1 =	rddreg [dreg:$0x1];
	p0 =	sne.s32 s2, $0x0  }
0x108: {  	s3 =	rddreg [dreg:$0x2];
	[bflag:$0x3] =	sbarrier.arrive $0xFFFF;
	s2 =	simm.s32 @!p0 $0x1C04  }
0x109: {  	[timem:s3], [sflag:s2] =	dma.local @!p0 [hbm:s0], s1  }
0x10a: {  	s0 =	simm.s32 @!p0 $0x4  }
0x10b: {  	_ =	swait.ge @!p0 [sflag:s0], s1  }
0x10c: {  	s1 =	ssub.s32 @!p0 $0x0, s1;
	[sflag:s0] =	ssyncset.done @!p0 $0x0  }
0x10d: {  	[sflag:s0] =	ssyncadd.s32 @!p0 s1  }
0x10e: {  	[bflag:$0x3] =	sbarrier.arrive $0xFFFF  }
0x10f: {  	_ =	shalt  }

// kernel: kernel.9.cloned.1.call-start
scs
__scs_entry_jumppad:
0x0: {  	(pc) =	sbr.rel $0x88, $3  }
0x1: {  	(tag) =	ssettag $0x0;
	lr =	simm.s32 $0x1  }
0x2: {  	[smem:$0x3F99] =	sst lr;
	_ =	strace $0xD0000000  }
0x3: {  	_ = 	snop  }
0x4: {  	_ = 	snop  }
0x5: {  	_ = 	snop  }
0x6: {  	_ = 	snop  }
0x7: {  	_ = 	snop  }
__scs_overlays_trampoline_lowered:
0x8: {  	[smem:$0x3FA8] =	sst s0  }
0x9: {  	[smem:$0x3FA9] =	sst s1  }
0xa: {  	[smem:$0x3FAA] =	sst s2  }
0xb: {  	[smem:$0x3FAB] =	sst s3  }
0xc: {  	[smem:$0x3FAC] =	sst s4  }
0xd: {  	[smem:$0x3FAD] =	sst s5  }
0xe: {  	[smem:$0x3FAE] =	sst s6  }
0xf: {  	[smem:$0x3FAF] =	sst s7  }
0x10: {  	[smem:$0x3FB0] =	sst s8  }
0x11: {  	[smem:$0x3FB1] =	sst s9;
	s0 =	simm.s32 @!p0 $0x0  }
0x12: {  	s1 =	sld [smem:$0x3F97];
	s0 =	simm.s32 @p0 $0x1  }
0x13: {  	[smem:$0x3FB2] =	sst s0;
	s0 =	simm.s32 @!p1 $0x0  }
0x14: {  	s2 =	sld [smem:$0x3F96];
	s0 =	simm.s32 @p1 $0x1  }
0x15: {  	[smem:$0x3FB3] =	sst s0;
	s0 =	simm.s32 @!p2 $0x0  }
0x16: {  	s3 =	sld [smem:$0x3FDB];
	s0 =	simm.s32 @p2 $0x1  }
0x17: {  	s4 =	simm.s32 $0x1BF5;
	[smem:$0x3FB5] =	sst s0  }
0x18: {  	s0 =	sld [smem:$0x3F98];
	_ =	swait.ge [sflag:s4], $0x0  }
0x19: {  	s7 =	sld [smem:$0x3F99]  }
0x1a: {  	s8 =	sadd.s32 $0xFFFFE003, lr  }
0x1b: {  	s9 =	sadd.s32 $0xFFFFFEF7, lr;
	s5 =	simm.s32 $0xFFFFFFFF;
	p2 =	slt.u32 s8, $0xFFFFF086  }
0x1c: {  	p1 =	slt.u32 s9, $0xF7A;
	s5 =	simm.s32 @!p2 $0x0  }
0x1d: {  	s5 =	simm.s32 @p1 $0x1;
	p0 =	seq.s32 s7, s2  }
0x1e: {  	s7 =	smul.u32 @!p0 $0xF7A, s2;
	p2 =	seq.s32 @!p0 s5, $0x0  }
0x1f: {  	s9 =	smul.u32 $0xF7A, s1;
	s8 =	simm.s32 @!p0 $0x1BF5;
	p2 =	por !p2, p0  }
0x20: {  	[sflag:s8] =	ssyncset.s32 @!p0 $0xFFFFF086;
	s6 =	sadd.s32 @!p0 s3, s7;
	s7 =	simm.s32 @!p0 $0x108  }
0x21: {  	s3 =	sadd.s32 s3, s9;
	s6 =	sadd.s32 @!p0 $0x88, s6;
	s7 =	simm.s32 @p2 $0x1082  }
0x22: {  	[simem:s7], [sflag:s8] =	dma.local @!p0 [hbm:s6], $0xF7A  }
0x23: {  	s9 =	sor.u32 $0xD0000000, s2;
	s6 =	simm.s32 $0x108;
	_ =	swait.ge @!p0 [sflag:s8], $0x0  }
0x24: {  	s3 =	sadd.s32 $0x88, s3;
	s6 =	simm.s32 @!p1 $0x1082;
	[sflag:s4] =	ssyncset.s32 $0xFFFFF086  }
0x25: {  	[simem:s6], [sflag:s4] =	dma.local [hbm:s3], $0xF7A  }
0x26: {  	[smem:$0x3F99] =	sst s1;
	(tag) =	ssettag s2;
	_ =	strace s9  }
0x27: {  	s1 =	sld [smem:$0x3FA9]  }
0x28: {  	s2 =	sld [smem:$0x3FAA]  }
0x29: {  	s4 =	sld [smem:$0x3FAC]  }
0x2a: {  	p0 =	seq.s32 s5, $0x0;
	s5 =	sld [smem:$0x3FAD]  }
0x2b: {  	s6 =	sld [smem:$0x3FAE]  }
0x2c: {  	s7 =	sld [smem:$0x3FAF]  }
0x2d: {  	s3 =	simm.s32 $0x108;
	s8 =	sld [smem:$0x3FB0]  }
0x2e: {  	s3 =	simm.s32 @!p0 $0x1082;
	s9 =	sld [smem:$0x3FB1]  }
0x2f: {  	lr =	sadd.s32 s0, s3;
	s0 =	sld [smem:$0x3FA8]  }
0x30: {  	s3 =	sld [smem:$0x3FAB]  }
0x31: {  	[smem:$0x3FB4] =	sst s10  }
0x32: {  	s10 =	sld [smem:$0x3FB2];
	_ =	sdelay $0x3  }
0x33: {  	p0 =	seq.s32 s10, $0x1;
	s10 =	sld [smem:$0x3FB4];
	_ =	sdelay $0x3  }
0x34: {  	[smem:$0x3FB4] =	sst s10  }
0x35: {  	s10 =	sld [smem:$0x3FB3];
	_ =	sdelay $0x3  }
0x36: {  	p1 =	seq.s32 s10, $0x1;
	s10 =	sld [smem:$0x3FB4];
	_ =	sdelay $0x3  }
0x37: {  	[smem:$0x3FB4] =	sst s10  }
0x38: {  	s10 =	sld [smem:$0x3FB5]  }
0x39: {  	_ = 	snop;
	(pc) =	sbr.ind lr, $3  }
0x3a: {  	_ = 	snop  }
0x3b: {  	_ = 	snop  }
0x3c: {  	p2 =	seq.s32 s10, $0x1;
	s10 =	sld [smem:$0x3FB4]  }
0x3d: {  	_ =	shalt  }
0x3e: {  	_ =	shalt  }
0x3f: {  	_ =	shalt  }
0x40: {  	_ =	shalt  }
0x41: {  	_ =	shalt  }
0x42: {  	_ =	shalt  }
0x43: {  	_ =	shalt  }
0x44: {  	_ =	shalt  }
0x45: {  	_ =	shalt  }
0x46: {  	_ =	shalt  }
0x47: {  	_ =	shalt  }
0x48: {  	_ =	shalt  }
0x49: {  	_ =	shalt  }
0x4a: {  	_ =	shalt  }
0x4b: {  	_ =	shalt  }
0x4c: {  	_ =	shalt  }
0x4d: {  	_ =	shalt  }
0x4e: {  	_ =	shalt  }
0x4f: {  	_ =	shalt  }
0x50: {  	_ =	shalt  }
0x51: {  	_ =	shalt  }
0x52: {  	_ =	shalt  }
0x53: {  	_ =	shalt  }
0x54: {  	_ =	shalt  }
0x55: {  	_ =	shalt  }
0x56: {  	_ =	shalt  }
0x57: {  	_ =	shalt  }
0x58: {  	_ =	shalt  }
0x59: {  	_ =	shalt  }
0x5a: {  	_ =	shalt  }
0x5b: {  	_ =	shalt  }
0x5c: {  	_ =	shalt  }
0x5d: {  	_ =	shalt  }
0x5e: {  	_ =	shalt  }
0x5f: {  	_ =	shalt  }
0x60: {  	_ =	shalt  }
0x61: {  	_ =	shalt  }
0x62: {  	_ =	shalt  }
0x63: {  	_ =	shalt  }
0x64: {  	_ =	shalt  }
0x65: {  	_ =	shalt  }
0x66: {  	_ =	shalt  }
0x67: {  	_ =	shalt  }
0x68: {  	_ =	shalt  }
0x69: {  	_ =	shalt  }
0x6a: {  	_ =	shalt  }
0x6b: {  	_ =	shalt  }
0x6c: {  	_ =	shalt  }
0x6d: {  	_ =	shalt  }
0x6e: {  	_ =	shalt  }
0x6f: {  	_ =	shalt  }
0x70: {  	_ =	shalt  }
0x71: {  	_ =	shalt  }
0x72: {  	_ =	shalt  }
0x73: {  	_ =	shalt  }
0x74: {  	_ =	shalt  }
0x75: {  	_ =	shalt  }
0x76: {  	_ =	shalt  }
0x77: {  	_ =	shalt  }
0x78: {  	_ =	shalt  }
0x79: {  	_ =	shalt  }
0x7a: {  	_ =	shalt  }
0x7b: {  	_ =	shalt  }
0x7c: {  	_ =	shalt  }
0x7d: {  	_ =	shalt  }
0x7e: {  	_ =	shalt  }
0x7f: {  	_ =	shalt  }
0x80: {  	_ =	shalt  }
0x81: {  	_ =	shalt  }
0x82: {  	_ =	shalt  }
0x83: {  	_ =	shalt  }
0x84: {  	_ =	shalt  }
0x85: {  	_ =	shalt  }
0x86: {  	_ =	shalt  }
0x87: {  	_ =	shalt  }
.Lfunc_end0:
.L_simem_size_0:
called_computation.1_lowered:
.L_overlay_start_0:
0x88: {  	s2 =	sld [smem:$0x3FD9]  }
0x89: {  	s3 =	sld [smem:$0x3FFE];
	_ =	sdelay $0x1  }
0x8a: {  	s1 =	srdreg.scid  }
0x8b: {  	s0 =	sand.u32 $0x1, s1  }
0x8c: {  	s17 =	sshll.u32 s0, $0xA;
	s2 =	sadd.s32 s3, s2  }
0x8d: {  	s2 =	sadd.s32 s2, s17  }
0x8e: {  	[smem:$0x3FC0] =	sst s2  }
0x8f: {  	_ = 	snop  }
0x90: {  	s2 =	sld [smem:$0x3FD0];
	(tm) =	ssettm $0x1  }
0x91: {  	s18 =	sld [smem:$0x3FFB];
	_ =	sdelay $0x3  }
0x92: {  	_ =	strace s18  }
0x93: {  	s3 =	sld [smem:$0x3FFC];
	_ =	sdelay $0x3  }
0x94: {  	_ =	strace s3  }
0x95: {  	s3 =	sld [smem:$0x3FFD];
	_ =	sdelay $0x3  }
0x96: {  	_ =	strace s3  }
0x97: {  	_ =	strace $0x8FFFFFFF  }
0x98: {  	s19 =	sld [smem:$0x3FDB];
	_ =	sdelay $0x1  }
0x99: {  	s4 =	simm.s32 $_scs_section_size  }
0x9a: {  	s5 =	simm.s32 $_size__tile_overlayer_lowered;
	s6 =	simm.s32 $_tile_overlayer_lowered  }
0x9b: {  	s22 =	simm.s32 $0x1BFF;
	s21 =	sshll.u32 s6, $0x1;
	s3 =	sadd.s32 s4, s19  }
0x9c: {  	s7 =	simm.s32 $0x0;
	s20 =	sshll.u32 s5, $0x1;
	s5 =	sadd.s32 s21, s3  }
0x9d: {  	[timem:s7], [sflag:s22] =	dma.local [hbm:s5], s20  }
0x9e: {  	_ =	swait.ge [sflag:s22], s20  }
0x9f: {  	s4 =	ssub.s32 $0x0, s20;
	[sflag:s22] =	ssyncset.done $0x0  }
0xa0: {  	[sflag:s22] =	ssyncadd.s32 s4;
	_ =	sdelay $0x1  }
0xa1: {  	s23 =	simm.s32 $0x1B8B  }
0xa2: {  	_ =	swait.ge [sflag:s23], $0x1  }
0xa3: {  	[sflag:s23] =	ssyncset.done $0x0  }
0xa4: {  	s25 =	simm.s32 $0x1B8E;
	s24 =	sld [smem:$0x3FFE];
	[sflag:s23] =	ssyncadd.s32 $0xFFFFFFFF  }
0xa5: {  	s26 =	simm.s32 $execute0_lowered;
	[smem:$0x3FD2] =	sst s25  }
0xa6: {  	s5 =	sshll.u32 s26, $0x1;
	_ =	strace $0x80000049;
	[dreg:$0x1] =	wrdreg $0xFFFFFFFF  }
0xa7: {  	s28 =	simm.s32 $_size_execute0_lowered;
	s3 =	sadd.s32 s3, s5;
	[dreg:$0x0] =	wrdreg $0x0  }
0xa8: {  	s5 =	sshll.u32 s28, $0x1;
	[dreg:$0x2] =	wrdreg s3  }
0xa9: {  	[dreg:$0x3] =	wrdreg s5  }
0xaa: {  	[dreg:$0x4] =	wrdreg $0xC0  }
0xab: {  	_ =	task [dreg:s7], $0x5FFFF  }
0xac: {  	[dreg:$0x1] =	wrdreg $0xFFFFFFFF  }
0xad: {  	[dreg:$0x0] =	wrdreg $0x60  }
0xae: {  	[dreg:$0x2] =	wrdreg s2  }
0xaf: {  	[dreg:$0x3] =	wrdreg s24  }
0xb0: {  	[dreg:$0x4] =	wrdreg $0xE0000  }
0xb1: {  	[dreg:$0x5] =	wrdreg $0x9  }
0xb2: {  	_ =	task.clear_ibuf [dreg:s7], $0x6FFFF;
	_ =	strace $0x90000049  }
0xb3: {  	s29 =	simm.s32 $0x9;
	_ =	strace $0x8000004B  }
0xb4: {  	_ =	swait.ge [sflag:s29], $0x1  }
0xb5: {  	[sflag:s29] =	ssyncadd.s32 $0xFFFFFFFF  }
0xb6: {  	_ =	strace $0x9000004B  }
0xb7: {  	_ =	sfence  }
0xb8: {  	s30 =	sld [smem:$0x0];
	_ =	sdelay $0x2  }
0xb9: {  	s31 =	sshll.u32 s1, $0xD;
	s1 =	sshrl.u32 s1, $0x2  }
0xba: {  	s3 =	sand.u32 $0x4000, s31;
	s1 =	sadd.s32 s1, s30  }
0xbb: {  	s0 =	sor.u32 s3, s0;
	s1 =	sshll.u32 s1, $0x11  }
0xbc: {  	s0 =	sor.u32 s1, s0  }
0xbd: {  	s0 =	sadd.s32 $0x8F2B, s0  }
0xbe: {  	[sflag:s0] =	ssyncadd.remote.s32 $0x1  }
0xbf: {  	_ =	sfence.sel $0xFFFF  }
0xc0: {  	[dreg:$0x0] =	wrdreg $0xFFFFFFFF;
	(pc) =	sbr.abs _section_cstart, $3  }
0xc1: {  	[dreg:$0x1] =	wrdreg $0xFFFFFFFF  }
0xc2: {  	_ =	task.clear_ibuf [dreg:s7], $0x2FFFF;
	_ =	strace $0x9FFFFFFF  }
0xc3: {  	(tm) =	ssettm $0x7FFFFFFF  }
tec
execute0_lowered:
.L_overlay_start_1:
0x0: {  	(tag) =	ssettag $0x1  }
0x1: {  	s1 =	rddreg [dreg:$0x0]  }
0x2: {  	s8 =	rddreg [dreg:$0x1]  }
0x3: {  	s3 =	rddreg [dreg:$0x2]  }
0x4: {  	s0 =	rddreg [dreg:$0x3];
	s4 =	simm.s32 $0x0  }
0x5: {  	s2 =	stileid.u32;
	s7 =	srdreg.scid;
	s16 =	simm.s32 $0x5000  }
0x6: {  	s17 =	simm.s32 $0x80;
	s18 =	simm.s32 $0xA000;
	s19 =	simm.s32 $0x1  }
0x7: {  	s20 =	simm.s32 $0xC000;
	s21 =	simm.s32 $0x2;
	s22 =	simm.s32 $0x100  }
0x8: {  	s23 =	simm.s32 $0x5080;
	s24 =	simm.s32 $0x4F80;
	s25 =	simm.s32 $0x9F00  }
0x9: {  	s26 =	simm.s32 $0x9F80;
	s28 =	simm.s32 $0x0;
	s6 =	smul.u32 $0xA00, s2  }
0xa: {  	[smem:$0x7FF] =	sst s4;
	s9 =	smul.u32 $0xA000, s2;
	s5 =	sadd.s32 $0x2A00, s8  }
0xb: {  	s14 =	sand.u32 $0x1, s7;
	s7 =	sadd.s32 $0x3E400, s8;
	s31 =	sshll.u32 s2, $0x6  }
0xc: {  	_ =	strace $0x8000004A;
	s10 =	ssub.s32 $0x2, s14;
	p0 =	sne.s32 s14, $0x0  }
.Ltmp0:
0xd: {  	s12 =	sadd.s32 s6, s8;
	s6 =	sshrl.u32 s9, $0x3;
	(pc) =	sbr.rel .LBB2_1-.Ltmp0, $4  }
0xe: {  	s13 =	sshrl.u32 s10, $0x1;
	s15 =	sadd.s32 s9, s3;
	s11 =	sadd.s32 s6, s8  }
0xf: {  	s8 =	sadd.s32 $0x52400, s8;
	s13 =	ssub.s32 s10, s13;
	s10 =	sor.u32 $0x1C03, s31  }
0x10: {  	s14 =	sshrl.u32 s15, $0x3;
	s15 =	simm.s32 $0x3;
	s9 =	sadd.s32 $0x2A400, s11  }
0x11: {  	s11 =	sadd.s32 $0x20400, s12;
	s12 =	sadd.s32 $0x16400, s12;
	s13 =	smax.u32 s13, $0x1  }
.LBB2_7:
0x12: {  	[spmem:s3] =	stream.indirect.scatter.add.f32 [tilespmem:s20], [sflag:$0x2], $0x40, s30, s17, $0xb8;
	[tilespmem:$0x18000] =	vst v63  }
0x13: {  	_ =	swait.ge [sflag:s19], $0x2000  }
0x14: {  	[sflag:s19] =	ssyncset.done $0x0  }
0x15: {  	[sflag:s19] =	ssyncadd.s32 $0xFFFFE000  }
0x16: {  	_ =	swait.ge [sflag:s21], $0x2000  }
0x17: {  	[sflag:s21] =	ssyncset.done $0x0  }
0x18: {  	[sflag:s21] =	ssyncadd.s32 $0xFFFFE000  }
0x19: {  	[tilespmem:s20], [sflag:$0x1] =	stream.indirect.gather [hbm4b:s5+s17], $0x40, s24, s17, $0xb8;
	[tilespmem:$0x18000] =	vst v63  }
0x1a: {  	_ = 	snop  }
0x1b: {  	[spmem:s3] =	stream.indirect.scatter.add.f32 [tilespmem:s18], [sflag:$0x2], $0x40, s25, s17, $0xb8;
	[tilespmem:$0x18000] =	vst v63  }
0x1c: {  	_ =	swait.ge [sflag:s19], $0x2000  }
0x1d: {  	[sflag:s19] =	ssyncset.done $0x0  }
0x1e: {  	[sflag:s19] =	ssyncadd.s32 $0xFFFFE000  }
0x1f: {  	_ =	swait.ge [sflag:s21], $0x2000  }
0x20: {  	[sflag:s21] =	ssyncset.done $0x0  }
0x21: {  	s29 =	smov.u32 s8;
	[sflag:s21] =	ssyncadd.s32 $0xFFFFE000  }
0x22: {  	[spmem:s3] =	stream.indirect.scatter.add.f32 [tilespmem:s20], [sflag:$0x2], $0x40, s26, s17, $0xb8;
	[tilespmem:$0x18000] =	vst v63  }
.LBB2_8:
0x23: {  	_ =	swait.ge [sflag:s21], $0x2000  }
0x24: {  	s28 =	sadd.s32 $0x1, s28;
	[sflag:s21] =	ssyncset.done $0x0  }
0x25: {  	p1 =	sne.s32 s28, s13;
	[sflag:s21] =	ssyncadd.s32 $0xFFFFE000  }
.Ltmp1:
0x26: {  	s29 =	sadd.s32 s29, s6;
	[bflag:$0x0] =	sbarrier.arrive $0xFFFF;
	(pc) =	sbr.rel @!p1 .LBB2_9-.Ltmp1, $4  }
0x27: {  	[hbm:s29], [sflag:s10] =	dma.local [spmem:s14], $0x1400  }
0x28: {  	_ =	swait.ge [sflag:s15], $0x1400  }
0x29: {  	[sflag:s15] =	ssyncset.done $0x0  }
0x2a: {  	[sflag:s15] =	ssyncadd.s32 $0xFFFFEC00  }
.LBB2_1:
0x2b: {  	[spmem:s14], [sflag:s10] =	dma.local [hbm:s9], $0x1400  }
0x2c: {  	_ =	swait.ge [sflag:s15], $0x1400  }
0x2d: {  	[sflag:s15] =	ssyncset.done $0x0  }
0x2e: {  	[sflag:s15] =	ssyncadd.s32 $0xFFFFEC00  }
0x2f: {  	[tilespmem:s4], [sflag:$0x3] =	stream.linear.gather [hbm4b:s11+s4], $0x5000, $0x38;
	[tilespmem:$0x18000] =	vst v63  }
0x30: {  	_ =	swait.ge [sflag:s15], $0x5000  }
0x31: {  	[sflag:s15] =	ssyncset.done $0x0  }
0x32: {  	[sflag:s15] =	ssyncadd.s32 $0xFFFFB000  }
0x33: {  	[tilespmem:s16], [sflag:$0x3] =	stream.linear.gather [hbm4b:s12+s4], $0x5000, $0x38;
	[tilespmem:$0x18000] =	vst v63  }
.Ltmp2:
0x34: {  	_ =	swait.ge [sflag:s15], $0x5000;
	(pc) =	sbr.rel @p0 .LBB2_5-.Ltmp2, $3  }
0x35: {  	[sflag:s15] =	ssyncset.done $0x0  }
0x36: {  	[sflag:s15] =	ssyncadd.s32 $0xFFFFB000  }
0x37: {  	[bflag:$0x0] =	sbarrier.arrive $0xFFFF;
	_ =	sdelay $0x1  }
0x38: {  	[tilespmem:s18], [sflag:$0x1] =	stream.indirect.gather [hbm4b:s1+s17], $0x40, s4, s17, $0xb8;
	[tilespmem:$0x18000] =	vst v63  }
0x39: {  	_ =	swait.ge [sflag:s19], $0x2000  }
0x3a: {  	[sflag:s19] =	ssyncset.done $0x0  }
0x3b: {  	[sflag:s19] =	ssyncadd.s32 $0xFFFFE000  }
0x3c: {  	[tilespmem:s20], [sflag:$0x1] =	stream.indirect.gather [hbm4b:s1+s17], $0x40, s17, s17, $0xb8;
	[tilespmem:$0x18000] =	vst v63  }
0x3d: {  	_ = 	snop  }
0x3e: {  	[spmem:s3] =	stream.indirect.scatter.add.f32 [tilespmem:s18], [sflag:$0x2], $0x40, s16, s17, $0xb8;
	[tilespmem:$0x18000] =	vst v63  }
0x3f: {  	_ =	swait.ge [sflag:s19], $0x2000  }
0x40: {  	[sflag:s19] =	ssyncset.done $0x0  }
0x41: {  	[sflag:s19] =	ssyncadd.s32 $0xFFFFE000  }
0x42: {  	_ =	swait.ge [sflag:s21], $0x2000  }
0x43: {  	[sflag:s21] =	ssyncset.done $0x0  }
0x44: {  	[sflag:s21] =	ssyncadd.s32 $0xFFFFE000  }
0x45: {  	[tilespmem:s18], [sflag:$0x1] =	stream.indirect.gather [hbm4b:s1+s17], $0x40, s22, s17, $0xb8;
	[tilespmem:$0x18000] =	vst v63  }
0x46: {  	_ = 	snop  }
0x47: {  	[spmem:s3] =	stream.indirect.scatter.add.f32 [tilespmem:s20], [sflag:$0x2], $0x40, s23, s17, $0xb8;
	[tilespmem:$0x18000] =	vst v63  }
0x48: {  	_ =	swait.ge [sflag:s19], $0x2000  }
0x49: {  	[sflag:s19] =	ssyncset.done $0x0  }
0x4a: {  	[sflag:s19] =	ssyncadd.s32 $0xFFFFE000  }
0x4b: {  	_ =	swait.ge [sflag:s21], $0x2000  }
0x4c: {  	[sflag:s21] =	ssyncset.done $0x0  }
0x4d: {  	s29 =	simm.s32 $0x180;
	[sflag:s21] =	ssyncadd.s32 $0xFFFFE000  }
0x4e: {  	[tilespmem:s20], [sflag:$0x1] =	stream.indirect.gather [hbm4b:s1+s17], $0x40, s29, s17, $0xb8;
	[tilespmem:$0x18000] =	vst v63  }
0x4f: {  	s29 =	simm.s32 $0x5100  }
0x50: {  	[spmem:s3] =	stream.indirect.scatter.add.f32 [tilespmem:s18], [sflag:$0x2], $0x40, s29, s17, $0xb8;
	[tilespmem:$0x18000] =	vst v63  }
0x51: {  	_ =	swait.ge [sflag:s19], $0x2000  }
0x52: {  	[sflag:s19] =	ssyncset.done $0x0  }
0x53: {  	[sflag:s19] =	ssyncadd.s32 $0xFFFFE000  }
0x54: {  	_ =	swait.ge [sflag:s21], $0x2000  }
0x55: {  	[sflag:s21] =	ssyncset.done $0x0  }
0x56: {  	s29 =	simm.s32 $0x200;
	[sflag:s21] =	ssyncadd.s32 $0xFFFFE000  }
0x57: {  	[tilespmem:s18], [sflag:$0x1] =	stream.indirect.gather [hbm4b:s1+s17], $0x40, s29, s17, $0xb8;
	[tilespmem:$0x18000] =	vst v63  }
0x58: {  	s30 =	simm.s32 $0x5180;
	s29 =	simm.s32 $0xFFFECC00  }
.LBB2_3:
0x59: {  	[spmem:s3] =	stream.indirect.scatter.add.f32 [tilespmem:s20], [sflag:$0x2], $0x40, s30, s17, $0xb8;
	[tilespmem:$0x18000] =	vst v63  }
0x5a: {  	s30 =	smov.u32 s29  }
0x5b: {  	p1 =	seq.s32 s29, $0xFFFFFC00;
	s29 =	sadd.s32 $0x400, s29;
	_ =	swait.ge [sflag:s19], $0x2000  }
0x5c: {  	[sflag:s19] =	ssyncset.done $0x0  }
0x5d: {  	[sflag:s19] =	ssyncadd.s32 $0xFFFFE000  }
0x5e: {  	_ =	swait.ge [sflag:s21], $0x2000  }
0x5f: {  	s30 =	sshra.s32 s30, $0x2;
	[sflag:s21] =	ssyncset.done $0x0  }
0x60: {  	s31 =	sadd.s32 $0x4F80, s30;
	[sflag:s21] =	ssyncadd.s32 $0xFFFFE000  }
0x61: {  	[tilespmem:s20], [sflag:$0x1] =	stream.indirect.gather [hbm4b:s1+s17], $0x40, s31, s17, $0xb8;
	[tilespmem:$0x18000] =	vst v63  }
0x62: {  	s31 =	sadd.s32 $0x9F00, s30  }
0x63: {  	[spmem:s3] =	stream.indirect.scatter.add.f32 [tilespmem:s18], [sflag:$0x2], $0x40, s31, s17, $0xb8;
	[tilespmem:$0x18000] =	vst v63  }
0x64: {  	_ =	swait.ge [sflag:s19], $0x2000  }
0x65: {  	[sflag:s19] =	ssyncset.done $0x0  }
0x66: {  	[sflag:s19] =	ssyncadd.s32 $0xFFFFE000  }
.Ltmp3:
0x67: {  	_ =	swait.ge [sflag:s21], $0x2000;
	(pc) =	sbr.rel @!p1 .LBB2_3-.Ltmp3, $4  }
0x68: {  	[sflag:s21] =	ssyncset.done $0x0  }
0x69: {  	s31 =	sadd.s32 $0x5000, s30;
	[sflag:s21] =	ssyncadd.s32 $0xFFFFE000  }
0x6a: {  	[tilespmem:s18], [sflag:$0x1] =	stream.indirect.gather [hbm4b:s1+s17], $0x40, s31, s17, $0xb8;
	[tilespmem:$0x18000] =	vst v63  }
0x6b: {  	s30 =	sadd.s32 $0x9F80, s30  }
0x6c: {  	[spmem:s3] =	stream.indirect.scatter.add.f32 [tilespmem:s20], [sflag:$0x2], $0x40, s30, s17, $0xb8;
	[tilespmem:$0x18000] =	vst v63  }
0x6d: {  	_ =	swait.ge [sflag:s19], $0x2000  }
0x6e: {  	[sflag:s19] =	ssyncset.done $0x0  }
0x6f: {  	[sflag:s19] =	ssyncadd.s32 $0xFFFFE000  }
0x70: {  	_ =	swait.ge [sflag:s21], $0x2000  }
0x71: {  	[sflag:s21] =	ssyncset.done $0x0  }
0x72: {  	[sflag:s21] =	ssyncadd.s32 $0xFFFFE000  }
0x73: {  	[tilespmem:s20], [sflag:$0x1] =	stream.indirect.gather [hbm4b:s1+s17], $0x40, s24, s17, $0xb8;
	[tilespmem:$0x18000] =	vst v63  }
0x74: {  	_ = 	snop  }
0x75: {  	[spmem:s3] =	stream.indirect.scatter.add.f32 [tilespmem:s18], [sflag:$0x2], $0x40, s25, s17, $0xb8;
	[tilespmem:$0x18000] =	vst v63  }
0x76: {  	_ =	swait.ge [sflag:s19], $0x2000  }
0x77: {  	[sflag:s19] =	ssyncset.done $0x0  }
.Ltmp4:
0x78: {  	[sflag:s19] =	ssyncadd.s32 $0xFFFFE000;
	(pc) =	sbr.rel .LBB2_8-.Ltmp4, $4  }
0x79: {  	_ =	swait.ge [sflag:s21], $0x2000  }
0x7a: {  	[sflag:s21] =	ssyncset.done $0x0  }
0x7b: {  	s29 =	smov.u32 s7;
	[sflag:s21] =	ssyncadd.s32 $0xFFFFE000  }
0x7c: {  	[spmem:s3] =	stream.indirect.scatter.add.f32 [tilespmem:s20], [sflag:$0x2], $0x40, s26, s17, $0xb8;
	[tilespmem:$0x18000] =	vst v63  }
.LBB2_5:
0x7d: {  	[tilespmem:s18], [sflag:$0x1] =	stream.indirect.gather [hbm4b:s5+s17], $0x40, s4, s17, $0xb8;
	[tilespmem:$0x18000] =	vst v63  }
0x7e: {  	_ =	swait.ge [sflag:s19], $0x2000  }
0x7f: {  	[sflag:s19] =	ssyncset.done $0x0  }
0x80: {  	[sflag:s19] =	ssyncadd.s32 $0xFFFFE000  }
0x81: {  	[tilespmem:s20], [sflag:$0x1] =	stream.indirect.gather [hbm4b:s5+s17], $0x40, s17, s17, $0xb8;
	[tilespmem:$0x18000] =	vst v63  }
0x82: {  	_ = 	snop  }
0x83: {  	[spmem:s3] =	stream.indirect.scatter.add.f32 [tilespmem:s18], [sflag:$0x2], $0x40, s16, s17, $0xb8;
	[tilespmem:$0x18000] =	vst v63  }
0x84: {  	_ =	swait.ge [sflag:s19], $0x2000  }
0x85: {  	[sflag:s19] =	ssyncset.done $0x0  }
0x86: {  	[sflag:s19] =	ssyncadd.s32 $0xFFFFE000  }
0x87: {  	_ =	swait.ge [sflag:s21], $0x2000  }
0x88: {  	[sflag:s21] =	ssyncset.done $0x0  }
0x89: {  	[sflag:s21] =	ssyncadd.s32 $0xFFFFE000  }
0x8a: {  	[tilespmem:s18], [sflag:$0x1] =	stream.indirect.gather [hbm4b:s5+s17], $0x40, s22, s17, $0xb8;
	[tilespmem:$0x18000] =	vst v63  }
0x8b: {  	_ = 	snop  }
0x8c: {  	[spmem:s3] =	stream.indirect.scatter.add.f32 [tilespmem:s20], [sflag:$0x2], $0x40, s23, s17, $0xb8;
	[tilespmem:$0x18000] =	vst v63  }
0x8d: {  	_ =	swait.ge [sflag:s19], $0x2000  }
0x8e: {  	[sflag:s19] =	ssyncset.done $0x0  }
0x8f: {  	[sflag:s19] =	ssyncadd.s32 $0xFFFFE000  }
0x90: {  	_ =	swait.ge [sflag:s21], $0x2000  }
0x91: {  	[sflag:s21] =	ssyncset.done $0x0  }
0x92: {  	s29 =	simm.s32 $0x180;
	[sflag:s21] =	ssyncadd.s32 $0xFFFFE000  }
0x93: {  	[tilespmem:s20], [sflag:$0x1] =	stream.indirect.gather [hbm4b:s5+s17], $0x40, s29, s17, $0xb8;
	[tilespmem:$0x18000] =	vst v63  }
0x94: {  	s29 =	simm.s32 $0x5100  }
0x95: {  	[spmem:s3] =	stream.indirect.scatter.add.f32 [tilespmem:s18], [sflag:$0x2], $0x40, s29, s17, $0xb8;
	[tilespmem:$0x18000] =	vst v63  }
0x96: {  	_ =	swait.ge [sflag:s19], $0x2000  }
0x97: {  	[sflag:s19] =	ssyncset.done $0x0  }
0x98: {  	[sflag:s19] =	ssyncadd.s32 $0xFFFFE000  }
0x99: {  	_ =	swait.ge [sflag:s21], $0x2000  }
0x9a: {  	[sflag:s21] =	ssyncset.done $0x0  }
0x9b: {  	s29 =	simm.s32 $0x200;
	[sflag:s21] =	ssyncadd.s32 $0xFFFFE000  }
0x9c: {  	[tilespmem:s18], [sflag:$0x1] =	stream.indirect.gather [hbm4b:s5+s17], $0x40, s29, s17, $0xb8;
	[tilespmem:$0x18000] =	vst v63  }
0x9d: {  	s30 =	simm.s32 $0x5180;
	s29 =	simm.s32 $0xFFFECC00  }
.LBB2_6:
0x9e: {  	[spmem:s3] =	stream.indirect.scatter.add.f32 [tilespmem:s20], [sflag:$0x2], $0x40, s30, s17, $0xb8;
	[tilespmem:$0x18000] =	vst v63  }
0x9f: {  	s30 =	smov.u32 s29  }
0xa0: {  	p1 =	seq.s32 s29, $0xFFFFFC00;
	s29 =	sadd.s32 $0x400, s29;
	_ =	swait.ge [sflag:s19], $0x2000  }
0xa1: {  	[sflag:s19] =	ssyncset.done $0x0  }
0xa2: {  	[sflag:s19] =	ssyncadd.s32 $0xFFFFE000  }
0xa3: {  	_ =	swait.ge [sflag:s21], $0x2000  }
0xa4: {  	s30 =	sshra.s32 s30, $0x2;
	[sflag:s21] =	ssyncset.done $0x0  }
0xa5: {  	s31 =	sadd.s32 $0x4F80, s30;
	[sflag:s21] =	ssyncadd.s32 $0xFFFFE000  }
0xa6: {  	[tilespmem:s20], [sflag:$0x1] =	stream.indirect.gather [hbm4b:s5+s17], $0x40, s31, s17, $0xb8;
	[tilespmem:$0x18000] =	vst v63  }
0xa7: {  	s31 =	sadd.s32 $0x9F00, s30  }
0xa8: {  	[spmem:s3] =	stream.indirect.scatter.add.f32 [tilespmem:s18], [sflag:$0x2], $0x40, s31, s17, $0xb8;
	[tilespmem:$0x18000] =	vst v63  }
0xa9: {  	_ =	swait.ge [sflag:s19], $0x2000  }
0xaa: {  	[sflag:s19] =	ssyncset.done $0x0  }
0xab: {  	[sflag:s19] =	ssyncadd.s32 $0xFFFFE000  }
.Ltmp5:
0xac: {  	_ =	swait.ge [sflag:s21], $0x2000;
	(pc) =	sbr.rel @!p1 .LBB2_6-.Ltmp5, $4  }
0xad: {  	[sflag:s21] =	ssyncset.done $0x0  }
0xae: {  	s31 =	sadd.s32 $0x5000, s30;
	[sflag:s21] =	ssyncadd.s32 $0xFFFFE000  }
0xaf: {  	[tilespmem:s18], [sflag:$0x1] =	stream.indirect.gather [hbm4b:s5+s17], $0x40, s31, s17, $0xb8;
	[tilespmem:$0x18000] =	vst v63  }
0xb0: {  	s30 =	sadd.s32 $0x9F80, s30  }
.Ltmp6:
0xb1: {  	_ = 	snop;
	(pc) =	sbr.rel .LBB2_7-.Ltmp6, $1  }
0xb2: {  	_ =	sdelay $0x3  }
.LBB2_9:
0xb3: {  	_ =	sfence.sel $0x180000  }
0xb4: {  	[bflag:$0x0] =	sbarrier.arrive $0xFFFF  }
0xb5: {  	p0 =	sne.s32 s2, $0x0;
	_ =	strace $0x9000004A  }
0xb6: {  	s0 =	sadd.s32 @!p0 $0x100000, s0;
	[bflag:$0x2] =	sbarrier.arrive $0xFFFF  }
0xb7: {  	[sflag:s0] =	ssyncadd.tile.s32 @!p0 $0x1;
	_ =	shalt  }
.Lfunc_end2:
_tile_overlayer_lowered:
.L_overlay_start_2:
0xb8: {  	(tag) =	ssettag $0x2  }
0xb9: {  	s0 =	rddreg [dreg:$0x0];
	s2 =	stileid.u32  }
0xba: {  	s1 =	rddreg [dreg:$0x1];
	p0 =	sne.s32 s2, $0x0  }
0xbb: {  	s3 =	rddreg [dreg:$0x2];
	[bflag:$0x3] =	sbarrier.arrive $0xFFFF;
	s2 =	simm.s32 @!p0 $0x1C03  }
0xbc: {  	[timem:s3], [sflag:s2] =	dma.local @!p0 [hbm:s0], s1  }
0xbd: {  	s0 =	simm.s32 @!p0 $0x3  }
0xbe: {  	_ =	swait.ge @!p0 [sflag:s0], s1  }
0xbf: {  	s1 =	ssub.s32 @!p0 $0x0, s1;
	[sflag:s0] =	ssyncset.done @!p0 $0x0  }
0xc0: {  	[sflag:s0] =	ssyncadd.s32 @!p0 s1  }
0xc1: {  	[bflag:$0x3] =	sbarrier.arrive $0xFFFF  }
0xc2: {  	_ =	shalt  }

</sc_bundles>
